<compile_context>
chip_gen: v7x
topology: tpu7x:2x2x1
jax: 0.10.2.dev20260603
libtpu: 0.0.44.dev20260713+nightly
codegen_flags: <defaults>
</compile_context>

<pallas_src>
import jax
import jax.numpy as jnp
from jax import lax
from jax.experimental import pallas as pl
from jax.experimental.pallas import tpu as pltpu
from jax.experimental.pallas import tpu_sc as plsc

NUM_CORES = 2
NUM_SUBCORES = 16
NW = NUM_CORES * NUM_SUBCORES
B = 16384
D = 32
BPW = B // NW
CHUNKS = BPW // 16


def _mf_kernel(uids_hbm, iids_hbm, ut_hbm, it_hbm, wb_hbm, out_hbm,
               idx_u, idx_i, u_rows, i_rows, wb_v, out_v, sem_u, sem_i):
    wid = lax.axis_index("s") * NUM_CORES + lax.axis_index("c")
    base = wid * BPW

    pltpu.sync_copy(wb_hbm, wb_v)
    pltpu.sync_copy(uids_hbm.at[pl.ds(base, BPW)], idx_u)
    pltpu.sync_copy(iids_hbm.at[pl.ds(base, BPW)], idx_i)

    cu = pltpu.async_copy(ut_hbm.at[idx_u], u_rows, sem_u)
    ci = pltpu.async_copy(it_hbm.at[idx_i], i_rows, sem_i)
    cu.wait()
    ci.wait()

    w_lo = wb_v[pl.ds(0, 16)]
    w_hi = wb_v[pl.ds(16, 16)]
    bias = wb_v[pl.ds(24, 16)][8]

    def body(c, carry):
        rows = c * 16 + lax.iota(jnp.int32, 16)
        acc = jnp.full((16,), 0.0, dtype=jnp.float32) + bias
        for d in range(D):
            col = jnp.full((16,), d, dtype=jnp.int32)
            ucol = plsc.load_gather(u_rows, [rows, col])
            icol = plsc.load_gather(i_rows, [rows, col])
            w_d = w_lo[d] if d < 16 else w_hi[d - 16]
            acc = acc + ucol * icol * w_d
        z = 1.0 / (1.0 + jnp.exp(-acc))
        out_v[pl.ds(c * 16, 16)] = z
        return carry

    lax.fori_loop(0, CHUNKS, body, 0)
    pltpu.sync_copy(out_v, out_hbm.at[pl.ds(base, BPW)])


@jax.jit
def kernel(input, user_table, item_table, W, b):
    uids = input[:, 0]
    iids = input[:, 1]
    wb = jnp.concatenate(
        [W.reshape(-1), b.reshape(-1), jnp.zeros((7,), jnp.float32)])

    mesh = plsc.VectorSubcoreMesh(core_axis_name="c", subcore_axis_name="s")
    run = pl.kernel(
        _mf_kernel,
        mesh=mesh,
        compiler_params=pltpu.CompilerParams(
            needs_layout_passes=False, use_tc_tiling_on_sc=False),
        out_type=jax.ShapeDtypeStruct((B,), jnp.float32),
        scratch_types=[
            pltpu.VMEM((BPW,), jnp.int32),
            pltpu.VMEM((BPW,), jnp.int32),
            pltpu.VMEM((BPW, D), jnp.float32),
            pltpu.VMEM((BPW, D), jnp.float32),
            pltpu.VMEM((D + 8,), jnp.float32),
            pltpu.VMEM((BPW,), jnp.float32),
            pltpu.SemaphoreType.DMA,
            pltpu.SemaphoreType.DMA,
        ],
    )
    return run(uids, iids, user_table, item_table, wb)

# --- scband reference (transcript-rebuilt; emitter-appended) ---
"""Pipeline reference for scband-pure-mf-11227044512293 (READ-ONLY COPY).

The authoritative reference and input builder live on the scoring server;
editing this copy changes nothing except your own understanding.
"""

import jax, jax.numpy as jnp
import numpy as np

NUM_USERS = 1000000
NUM_ITEMS = 1000000
EMBED_DIM = 32
BATCH = 16384


def setup_inputs(seed: int = 0) -> dict:
    key = jax.random.key(seed)
    k_idx, k_u, k_i, k_w, k_b = jax.random.split(key, 5)
    inp = jax.random.randint(k_idx, (BATCH, 2), 0, NUM_USERS, dtype=jnp.int64 if jax.config.jax_enable_x64 else jnp.int32).astype(jnp.int32)
    user_table = jax.random.normal(k_u, (NUM_USERS, EMBED_DIM), dtype=jnp.float32) * 0.05
    item_table = jax.random.normal(k_i, (NUM_ITEMS, EMBED_DIM), dtype=jnp.float32) * 0.05
    W = jax.random.normal(k_w, (EMBED_DIM, 1), dtype=jnp.float32) * (1.0 / np.sqrt(EMBED_DIM))
    b = jnp.zeros((1,), dtype=jnp.float32)
    return {"input": inp, "user_table": user_table, "item_table": item_table, "W": W, "b": b}


def reference(input, user_table, item_table, W, b):
    # input: int[B, 2] -> column 0 = user ids, column 1 = item ids
    u = jnp.take(user_table, input[:, 0], axis=0)  # [B, D] gather
    i = jnp.take(item_table, input[:, 1], axis=0)  # [B, D] gather
    predict = u * i                                  # elementwise mul
    linear = predict @ W + b                          # [B, 1]
    out = jax.nn.sigmoid(linear)
    return out.squeeze(-1)                            # [B]

if __name__ == "__main__":
    import jax
    _d = setup_inputs()
    print(jax.jit(kernel)(*tuple(_d.values())))

</pallas_src>

<mosaic_0001>
#map = affine_map<(d0, d1) -> (0)>
#map1 = affine_map<(d0, d1) -> (0, 0)>
module attributes {stable_mosaic.version = 14 : i64} {
  func.func @_mf_kernel(%arg0: i32, %arg1: i32, %arg2: memref<16384xi32, #tpu.memory_space<hbm>>, %arg3: memref<16384xi32, #tpu.memory_space<hbm>>, %arg4: memref<1000000x32xf32, #tpu.memory_space<hbm>>, %arg5: memref<1000000x32xf32, #tpu.memory_space<hbm>>, %arg6: memref<40xf32, #tpu.memory_space<hbm>>, %arg7: memref<16384xf32, #tpu.memory_space<hbm>>, %arg8: memref<512xi32, #tpu.memory_space<vmem>>, %arg9: memref<512xi32, #tpu.memory_space<vmem>>, %arg10: memref<512x32xf32, #tpu.memory_space<vmem>>, %arg11: memref<512x32xf32, #tpu.memory_space<vmem>>, %arg12: memref<40xf32, #tpu.memory_space<vmem>>, %arg13: memref<512xf32, #tpu.memory_space<vmem>>, %arg14: memref<!tpu.dma_semaphore, #tpu.memory_space<semaphore_mem>>, %arg15: memref<!tpu.dma_semaphore, #tpu.memory_space<semaphore_mem>>) attributes {dimension_semantics = [#tpu.dimension_semantics<core_parallel>, #tpu.dimension_semantics<subcore_parallel>], iteration_bounds = array<i64: 2, 16>, scalar_prefetch = 0 : i64, scratch_operands = 8 : i64, tpu.core_type = #tpu.core_type<sc_vector_subcore>, window_params = [{transform_indices = #map}, {transform_indices = #map}, {transform_indices = #map1}, {transform_indices = #map1}, {transform_indices = #map}, {transform_indices = #map}]} {
    %mul3A = arith.constant 2 : i32
    %mul3A_0 = arith.muli %arg1, %mul3A : i32
    %add3A = arith.addi %mul3A_0, %arg0 : i32
    %mul3A_1 = arith.constant 512 : i32
    %mul3A_2 = arith.muli %add3A, %mul3A_1 : i32
    "tpu.region"() ({
      %run_scoped3A = tpu.sem_alloc : memref<!tpu.dma_semaphore, #tpu.memory_space<semaphore_mem>>
      tpu.enqueue_dma source(%arg6 : memref<40xf32, #tpu.memory_space<hbm>>) target(%arg12 : memref<40xf32, #tpu.memory_space<vmem>>) target_semaphore(%run_scoped3A : memref<!tpu.dma_semaphore, #tpu.memory_space<semaphore_mem>>)
      tpu.wait_dma2 semaphore(%run_scoped3A : memref<!tpu.dma_semaphore, #tpu.memory_space<semaphore_mem>>) src(%arg6 : memref<40xf32, #tpu.memory_space<hbm>>) dst(%arg12 : memref<40xf32, #tpu.memory_space<vmem>>)
      tpu.yield
    }) : () -> ()
    "tpu.region"() ({
      %run_scoped3A = tpu.sem_alloc : memref<!tpu.dma_semaphore, #tpu.memory_space<semaphore_mem>>
      %dma_start3A_23 = tpu.memref_slice %arg2[%mul3A_2] : memref<16384xi32, #tpu.memory_space<hbm>> -> memref<512xi32, #tpu.memory_space<hbm>>
      %dma_start3A_24 = tpu.memref_slice %arg2[%mul3A_2] : memref<16384xi32, #tpu.memory_space<hbm>> -> memref<512xi32, #tpu.memory_space<hbm>>
      tpu.enqueue_dma source(%dma_start3A_24 : memref<512xi32, #tpu.memory_space<hbm>>) target(%arg8 : memref<512xi32, #tpu.memory_space<vmem>>) target_semaphore(%run_scoped3A : memref<!tpu.dma_semaphore, #tpu.memory_space<semaphore_mem>>)
      %dma_wait3A_25 = tpu.memref_slice %arg2[%mul3A_2] : memref<16384xi32, #tpu.memory_space<hbm>> -> memref<512xi32, #tpu.memory_space<hbm>>
      %dma_wait3A_26 = tpu.memref_slice %arg2[%mul3A_2] : memref<16384xi32, #tpu.memory_space<hbm>> -> memref<512xi32, #tpu.memory_space<hbm>>
      tpu.wait_dma2 semaphore(%run_scoped3A : memref<!tpu.dma_semaphore, #tpu.memory_space<semaphore_mem>>) src(%dma_wait3A_26 : memref<512xi32, #tpu.memory_space<hbm>>) dst(%arg8 : memref<512xi32, #tpu.memory_space<vmem>>)
      tpu.yield
    }) : () -> ()
    "tpu.region"() ({
      %run_scoped3A = tpu.sem_alloc : memref<!tpu.dma_semaphore, #tpu.memory_space<semaphore_mem>>
      %dma_start3A_23 = tpu.memref_slice %arg3[%mul3A_2] : memref<16384xi32, #tpu.memory_space<hbm>> -> memref<512xi32, #tpu.memory_space<hbm>>
      %dma_start3A_24 = tpu.memref_slice %arg3[%mul3A_2] : memref<16384xi32, #tpu.memory_space<hbm>> -> memref<512xi32, #tpu.memory_space<hbm>>
      tpu.enqueue_dma source(%dma_start3A_24 : memref<512xi32, #tpu.memory_space<hbm>>) target(%arg9 : memref<512xi32, #tpu.memory_space<vmem>>) target_semaphore(%run_scoped3A : memref<!tpu.dma_semaphore, #tpu.memory_space<semaphore_mem>>)
      %dma_wait3A_25 = tpu.memref_slice %arg3[%mul3A_2] : memref<16384xi32, #tpu.memory_space<hbm>> -> memref<512xi32, #tpu.memory_space<hbm>>
      %dma_wait3A_26 = tpu.memref_slice %arg3[%mul3A_2] : memref<16384xi32, #tpu.memory_space<hbm>> -> memref<512xi32, #tpu.memory_space<hbm>>
      tpu.wait_dma2 semaphore(%run_scoped3A : memref<!tpu.dma_semaphore, #tpu.memory_space<semaphore_mem>>) src(%dma_wait3A_26 : memref<512xi32, #tpu.memory_space<hbm>>) dst(%arg9 : memref<512xi32, #tpu.memory_space<vmem>>)
      tpu.yield
    }) : () -> ()
    %dma_start3A = arith.constant 0 : i32
    %dma_start3A_3 = arith.constant 0 : i32
    %dma_start3A_4 = tpu.memref_slice %arg4[%dma_start3A, %dma_start3A_3] : memref<1000000x32xf32, #tpu.memory_space<hbm>> -> memref<1000000x32xf32, #tpu.memory_space<hbm>>
    tpu.enqueue_indirect_dma source(%dma_start3A_4 : memref<1000000x32xf32, #tpu.memory_space<hbm>>) target(%arg10 : memref<512x32xf32, #tpu.memory_space<vmem>>) offsets(%arg8 : memref<512xi32, #tpu.memory_space<vmem>>) semaphore(%arg14 : memref<!tpu.dma_semaphore, #tpu.memory_space<semaphore_mem>>)
    %dma_start3A_5 = arith.constant 0 : i32
    %dma_start3A_6 = arith.constant 0 : i32
    %dma_start3A_7 = tpu.memref_slice %arg5[%dma_start3A_5, %dma_start3A_6] : memref<1000000x32xf32, #tpu.memory_space<hbm>> -> memref<1000000x32xf32, #tpu.memory_space<hbm>>
    tpu.enqueue_indirect_dma source(%dma_start3A_7 : memref<1000000x32xf32, #tpu.memory_space<hbm>>) target(%arg11 : memref<512x32xf32, #tpu.memory_space<vmem>>) offsets(%arg9 : memref<512xi32, #tpu.memory_space<vmem>>) semaphore(%arg15 : memref<!tpu.dma_semaphore, #tpu.memory_space<semaphore_mem>>)
    %dma_wait3A = arith.constant 0 : i32
    %dma_wait3A_8 = arith.constant 0 : i32
    %dma_wait3A_9 = tpu.memref_slice %arg4[%dma_wait3A, %dma_wait3A_8] : memref<1000000x32xf32, #tpu.memory_space<hbm>> -> memref<1000000x32xf32, #tpu.memory_space<hbm>>
    tpu.wait_indirect_dma semaphore(%arg14 : memref<!tpu.dma_semaphore, #tpu.memory_space<semaphore_mem>>) src(%dma_wait3A_9 : memref<1000000x32xf32, #tpu.memory_space<hbm>>) dst(%arg10 : memref<512x32xf32, #tpu.memory_space<vmem>>)
    %dma_wait3A_10 = arith.constant 0 : i32
    %dma_wait3A_11 = arith.constant 0 : i32
    %dma_wait3A_12 = tpu.memref_slice %arg5[%dma_wait3A_10, %dma_wait3A_11] : memref<1000000x32xf32, #tpu.memory_space<hbm>> -> memref<1000000x32xf32, #tpu.memory_space<hbm>>
    tpu.wait_indirect_dma semaphore(%arg15 : memref<!tpu.dma_semaphore, #tpu.memory_space<semaphore_mem>>) src(%dma_wait3A_12 : memref<1000000x32xf32, #tpu.memory_space<hbm>>) dst(%arg11 : memref<512x32xf32, #tpu.memory_space<vmem>>)
    %get3A = arith.constant 0 : index
    %get3A_13 = tpu.vector_load %arg12[%get3A] {strides = array<i32>} : memref<40xf32, #tpu.memory_space<vmem>>, vector<16xf32>,
    %get3A_14 = arith.constant 16 : index
    %get3A_15 = tpu.vector_load %arg12[%get3A_14] {strides = array<i32>} : memref<40xf32, #tpu.memory_space<vmem>>, vector<16xf32>,
    %get3A_16 = arith.constant 24 : index
    %get3A_17 = tpu.vector_load %arg12[%get3A_16] {strides = array<i32>} : memref<40xf32, #tpu.memory_space<vmem>>, vector<16xf32>,
    %slice3A = vector.extract_strided_slice %get3A_17 {offsets = [8], sizes = [1], strides = [1]} : vector<16xf32> to vector<1xf32>
    %squeeze3A = vector.extract %slice3A[0] : f32 from vector<1xf32>
    %scan3A = arith.constant 0 : i32
    %scan3A_18 = arith.constant 0 : i32
    %scan3A_19 = arith.constant 32 : i32
    %scan3A_20 = arith.addi %scan3A_18, %scan3A_19 : i32
    %scan3A_21 = arith.constant 1 : i32
    scf.for %scan3A_23 = %scan3A_18 to %scan3A_20 step %scan3A_21  : i32 {
      %mul3A_24 = arith.constant 16 : i32
      %mul3A_25 = arith.muli %scan3A_23, %mul3A_24 : i32
      %iota3A = tpu.iota {dimensions = array<i32: 0>} : vector<16xi32>
      %add3A_26 = vector.broadcast %mul3A_25 : i32 to vector<16xi32>
      %add3A_27 = arith.addi %add3A_26, %iota3A : vector<16xi32>
      %broadcast_in_dim3A = arith.constant 0.000000e+00 : f32
      %broadcast_in_dim3A_28 = vector.broadcast %broadcast_in_dim3A : f32 to vector<16xf32>
      %add3A_29 = vector.broadcast %squeeze3A : f32 to vector<16xf32>
      %add3A_30 = arith.addf %broadcast_in_dim3A_28, %add3A_29 : vector<16xf32>
      %broadcast_in_dim3A_31 = arith.constant 0 : i32
      %broadcast_in_dim3A_32 = vector.broadcast %broadcast_in_dim3A_31 : i32 to vector<16xi32>
      %gather3A = tpu.vector_load_idx %arg10[%add3A_27, %broadcast_in_dim3A_32] : memref<512x32xf32, #tpu.memory_space<vmem>>[vector<16xi32>, vector<16xi32>], vector<16xf32>,
      %gather3A_33 = tpu.vector_load_idx %arg11[%add3A_27, %broadcast_in_dim3A_32] : memref<512x32xf32, #tpu.memory_space<vmem>>[vector<16xi32>, vector<16xi32>], vector<16xf32>,
      %slice3A_34 = vector.extract_strided_slice %get3A_13 {offsets = [0], sizes = [1], strides = [1]} : vector<16xf32> to vector<1xf32>
      %squeeze3A_35 = vector.extract %slice3A_34[0] : f32 from vector<1xf32>
      %mul3A_36 = arith.mulf %gather3A, %gather3A_33 : vector<16xf32>
      %mul3A_37 = vector.broadcast %squeeze3A_35 : f32 to vector<16xf32>
      %mul3A_38 = arith.mulf %mul3A_36, %mul3A_37 : vector<16xf32>
      %add3A_39 = arith.addf %add3A_30, %mul3A_38 : vector<16xf32>
      %broadcast_in_dim3A_40 = arith.constant 1 : i32
      %broadcast_in_dim3A_41 = vector.broadcast %broadcast_in_dim3A_40 : i32 to vector<16xi32>
      %gather3A_42 = tpu.vector_load_idx %arg10[%add3A_27, %broadcast_in_dim3A_41] : memref<512x32xf32, #tpu.memory_space<vmem>>[vector<16xi32>, vector<16xi32>], vector<16xf32>,
      %gather3A_43 = tpu.vector_load_idx %arg11[%add3A_27, %broadcast_in_dim3A_41] : memref<512x32xf32, #tpu.memory_space<vmem>>[vector<16xi32>, vector<16xi32>], vector<16xf32>,
      %slice3A_44 = vector.extract_strided_slice %get3A_13 {offsets = [1], sizes = [1], strides = [1]} : vector<16xf32> to vector<1xf32>
      %squeeze3A_45 = vector.extract %slice3A_44[0] : f32 from vector<1xf32>
      %mul3A_46 = arith.mulf %gather3A_42, %gather3A_43 : vector<16xf32>
      %mul3A_47 = vector.broadcast %squeeze3A_45 : f32 to vector<16xf32>
      %mul3A_48 = arith.mulf %mul3A_46, %mul3A_47 : vector<16xf32>
      %add3A_49 = arith.addf %add3A_39, %mul3A_48 : vector<16xf32>
      %broadcast_in_dim3A_50 = arith.constant 2 : i32
      %broadcast_in_dim3A_51 = vector.broadcast %broadcast_in_dim3A_50 : i32 to vector<16xi32>
      %gather3A_52 = tpu.vector_load_idx %arg10[%add3A_27, %broadcast_in_dim3A_51] : memref<512x32xf32, #tpu.memory_space<vmem>>[vector<16xi32>, vector<16xi32>], vector<16xf32>,
      %gather3A_53 = tpu.vector_load_idx %arg11[%add3A_27, %broadcast_in_dim3A_51] : memref<512x32xf32, #tpu.memory_space<vmem>>[vector<16xi32>, vector<16xi32>], vector<16xf32>,
      %slice3A_54 = vector.extract_strided_slice %get3A_13 {offsets = [2], sizes = [1], strides = [1]} : vector<16xf32> to vector<1xf32>
      %squeeze3A_55 = vector.extract %slice3A_54[0] : f32 from vector<1xf32>
      %mul3A_56 = arith.mulf %gather3A_52, %gather3A_53 : vector<16xf32>
      %mul3A_57 = vector.broadcast %squeeze3A_55 : f32 to vector<16xf32>
      %mul3A_58 = arith.mulf %mul3A_56, %mul3A_57 : vector<16xf32>
      %add3A_59 = arith.addf %add3A_49, %mul3A_58 : vector<16xf32>
      %broadcast_in_dim3A_60 = arith.constant 3 : i32
      %broadcast_in_dim3A_61 = vector.broadcast %broadcast_in_dim3A_60 : i32 to vector<16xi32>
      %gather3A_62 = tpu.vector_load_idx %arg10[%add3A_27, %broadcast_in_dim3A_61] : memref<512x32xf32, #tpu.memory_space<vmem>>[vector<16xi32>, vector<16xi32>], vector<16xf32>,
      %gather3A_63 = tpu.vector_load_idx %arg11[%add3A_27, %broadcast_in_dim3A_61] : memref<512x32xf32, #tpu.memory_space<vmem>>[vector<16xi32>, vector<16xi32>], vector<16xf32>,
      %slice3A_64 = vector.extract_strided_slice %get3A_13 {offsets = [3], sizes = [1], strides = [1]} : vector<16xf32> to vector<1xf32>
      %squeeze3A_65 = vector.extract %slice3A_64[0] : f32 from vector<1xf32>
      %mul3A_66 = arith.mulf %gather3A_62, %gather3A_63 : vector<16xf32>
      %mul3A_67 = vector.broadcast %squeeze3A_65 : f32 to vector<16xf32>
      %mul3A_68 = arith.mulf %mul3A_66, %mul3A_67 : vector<16xf32>
      %add3A_69 = arith.addf %add3A_59, %mul3A_68 : vector<16xf32>
      %broadcast_in_dim3A_70 = arith.constant 4 : i32
      %broadcast_in_dim3A_71 = vector.broadcast %broadcast_in_dim3A_70 : i32 to vector<16xi32>
      %gather3A_72 = tpu.vector_load_idx %arg10[%add3A_27, %broadcast_in_dim3A_71] : memref<512x32xf32, #tpu.memory_space<vmem>>[vector<16xi32>, vector<16xi32>], vector<16xf32>,
      %gather3A_73 = tpu.vector_load_idx %arg11[%add3A_27, %broadcast_in_dim3A_71] : memref<512x32xf32, #tpu.memory_space<vmem>>[vector<16xi32>, vector<16xi32>], vector<16xf32>,
      %slice3A_74 = vector.extract_strided_slice %get3A_13 {offsets = [4], sizes = [1], strides = [1]} : vector<16xf32> to vector<1xf32>
      %squeeze3A_75 = vector.extract %slice3A_74[0] : f32 from vector<1xf32>
      %mul3A_76 = arith.mulf %gather3A_72, %gather3A_73 : vector<16xf32>
      %mul3A_77 = vector.broadcast %squeeze3A_75 : f32 to vector<16xf32>
      %mul3A_78 = arith.mulf %mul3A_76, %mul3A_77 : vector<16xf32>
      %add3A_79 = arith.addf %add3A_69, %mul3A_78 : vector<16xf32>
      %broadcast_in_dim3A_80 = arith.constant 5 : i32
      %broadcast_in_dim3A_81 = vector.broadcast %broadcast_in_dim3A_80 : i32 to vector<16xi32>
      %gather3A_82 = tpu.vector_load_idx %arg10[%add3A_27, %broadcast_in_dim3A_81] : memref<512x32xf32, #tpu.memory_space<vmem>>[vector<16xi32>, vector<16xi32>], vector<16xf32>,
      %gather3A_83 = tpu.vector_load_idx %arg11[%add3A_27, %broadcast_in_dim3A_81] : memref<512x32xf32, #tpu.memory_space<vmem>>[vector<16xi32>, vector<16xi32>], vector<16xf32>,
      %slice3A_84 = vector.extract_strided_slice %get3A_13 {offsets = [5], sizes = [1], strides = [1]} : vector<16xf32> to vector<1xf32>
      %squeeze3A_85 = vector.extract %slice3A_84[0] : f32 from vector<1xf32>
      %mul3A_86 = arith.mulf %gather3A_82, %gather3A_83 : vector<16xf32>
      %mul3A_87 = vector.broadcast %squeeze3A_85 : f32 to vector<16xf32>
      %mul3A_88 = arith.mulf %mul3A_86, %mul3A_87 : vector<16xf32>
      %add3A_89 = arith.addf %add3A_79, %mul3A_88 : vector<16xf32>
      %broadcast_in_dim3A_90 = arith.constant 6 : i32
      %broadcast_in_dim3A_91 = vector.broadcast %broadcast_in_dim3A_90 : i32 to vector<16xi32>
      %gather3A_92 = tpu.vector_load_idx %arg10[%add3A_27, %broadcast_in_dim3A_91] : memref<512x32xf32, #tpu.memory_space<vmem>>[vector<16xi32>, vector<16xi32>], vector<16xf32>,
      %gather3A_93 = tpu.vector_load_idx %arg11[%add3A_27, %broadcast_in_dim3A_91] : memref<512x32xf32, #tpu.memory_space<vmem>>[vector<16xi32>, vector<16xi32>], vector<16xf32>,
      %slice3A_94 = vector.extract_strided_slice %get3A_13 {offsets = [6], sizes = [1], strides = [1]} : vector<16xf32> to vector<1xf32>
      %squeeze3A_95 = vector.extract %slice3A_94[0] : f32 from vector<1xf32>
      %mul3A_96 = arith.mulf %gather3A_92, %gather3A_93 : vector<16xf32>
      %mul3A_97 = vector.broadcast %squeeze3A_95 : f32 to vector<16xf32>
      %mul3A_98 = arith.mulf %mul3A_96, %mul3A_97 : vector<16xf32>
      %add3A_99 = arith.addf %add3A_89, %mul3A_98 : vector<16xf32>
      %broadcast_in_dim3A_100 = arith.constant 7 : i32
      %broadcast_in_dim3A_101 = vector.broadcast %broadcast_in_dim3A_100 : i32 to vector<16xi32>
      %gather3A_102 = tpu.vector_load_idx %arg10[%add3A_27, %broadcast_in_dim3A_101] : memref<512x32xf32, #tpu.memory_space<vmem>>[vector<16xi32>, vector<16xi32>], vector<16xf32>,
      %gather3A_103 = tpu.vector_load_idx %arg11[%add3A_27, %broadcast_in_dim3A_101] : memref<512x32xf32, #tpu.memory_space<vmem>>[vector<16xi32>, vector<16xi32>], vector<16xf32>,
      %slice3A_104 = vector.extract_strided_slice %get3A_13 {offsets = [7], sizes = [1], strides = [1]} : vector<16xf32> to vector<1xf32>
      %squeeze3A_105 = vector.extract %slice3A_104[0] : f32 from vector<1xf32>
      %mul3A_106 = arith.mulf %gather3A_102, %gather3A_103 : vector<16xf32>
      %mul3A_107 = vector.broadcast %squeeze3A_105 : f32 to vector<16xf32>
      %mul3A_108 = arith.mulf %mul3A_106, %mul3A_107 : vector<16xf32>
      %add3A_109 = arith.addf %add3A_99, %mul3A_108 : vector<16xf32>
      %broadcast_in_dim3A_110 = arith.constant 8 : i32
      %broadcast_in_dim3A_111 = vector.broadcast %broadcast_in_dim3A_110 : i32 to vector<16xi32>
      %gather3A_112 = tpu.vector_load_idx %arg10[%add3A_27, %broadcast_in_dim3A_111] : memref<512x32xf32, #tpu.memory_space<vmem>>[vector<16xi32>, vector<16xi32>], vector<16xf32>,
      %gather3A_113 = tpu.vector_load_idx %arg11[%add3A_27, %broadcast_in_dim3A_111] : memref<512x32xf32, #tpu.memory_space<vmem>>[vector<16xi32>, vector<16xi32>], vector<16xf32>,
      %slice3A_114 = vector.extract_strided_slice %get3A_13 {offsets = [8], sizes = [1], strides = [1]} : vector<16xf32> to vector<1xf32>
      %squeeze3A_115 = vector.extract %slice3A_114[0] : f32 from vector<1xf32>
      %mul3A_116 = arith.mulf %gather3A_112, %gather3A_113 : vector<16xf32>
      %mul3A_117 = vector.broadcast %squeeze3A_115 : f32 to vector<16xf32>
      %mul3A_118 = arith.mulf %mul3A_116, %mul3A_117 : vector<16xf32>
      %add3A_119 = arith.addf %add3A_109, %mul3A_118 : vector<16xf32>
      %broadcast_in_dim3A_120 = arith.constant 9 : i32
      %broadcast_in_dim3A_121 = vector.broadcast %broadcast_in_dim3A_120 : i32 to vector<16xi32>
      %gather3A_122 = tpu.vector_load_idx %arg10[%add3A_27, %broadcast_in_dim3A_121] : memref<512x32xf32, #tpu.memory_space<vmem>>[vector<16xi32>, vector<16xi32>], vector<16xf32>,
      %gather3A_123 = tpu.vector_load_idx %arg11[%add3A_27, %broadcast_in_dim3A_121] : memref<512x32xf32, #tpu.memory_space<vmem>>[vector<16xi32>, vector<16xi32>], vector<16xf32>,
      %slice3A_124 = vector.extract_strided_slice %get3A_13 {offsets = [9], sizes = [1], strides = [1]} : vector<16xf32> to vector<1xf32>
      %squeeze3A_125 = vector.extract %slice3A_124[0] : f32 from vector<1xf32>
      %mul3A_126 = arith.mulf %gather3A_122, %gather3A_123 : vector<16xf32>
      %mul3A_127 = vector.broadcast %squeeze3A_125 : f32 to vector<16xf32>
      %mul3A_128 = arith.mulf %mul3A_126, %mul3A_127 : vector<16xf32>
      %add3A_129 = arith.addf %add3A_119, %mul3A_128 : vector<16xf32>
      %broadcast_in_dim3A_130 = arith.constant 10 : i32
      %broadcast_in_dim3A_131 = vector.broadcast %broadcast_in_dim3A_130 : i32 to vector<16xi32>
      %gather3A_132 = tpu.vector_load_idx %arg10[%add3A_27, %broadcast_in_dim3A_131] : memref<512x32xf32, #tpu.memory_space<vmem>>[vector<16xi32>, vector<16xi32>], vector<16xf32>,
      %gather3A_133 = tpu.vector_load_idx %arg11[%add3A_27, %broadcast_in_dim3A_131] : memref<512x32xf32, #tpu.memory_space<vmem>>[vector<16xi32>, vector<16xi32>], vector<16xf32>,
      %slice3A_134 = vector.extract_strided_slice %get3A_13 {offsets = [10], sizes = [1], strides = [1]} : vector<16xf32> to vector<1xf32>
      %squeeze3A_135 = vector.extract %slice3A_134[0] : f32 from vector<1xf32>
      %mul3A_136 = arith.mulf %gather3A_132, %gather3A_133 : vector<16xf32>
      %mul3A_137 = vector.broadcast %squeeze3A_135 : f32 to vector<16xf32>
      %mul3A_138 = arith.mulf %mul3A_136, %mul3A_137 : vector<16xf32>
      %add3A_139 = arith.addf %add3A_129, %mul3A_138 : vector<16xf32>
      %broadcast_in_dim3A_140 = arith.constant 11 : i32
      %broadcast_in_dim3A_141 = vector.broadcast %broadcast_in_dim3A_140 : i32 to vector<16xi32>
      %gather3A_142 = tpu.vector_load_idx %arg10[%add3A_27, %broadcast_in_dim3A_141] : memref<512x32xf32, #tpu.memory_space<vmem>>[vector<16xi32>, vector<16xi32>], vector<16xf32>,
      %gather3A_143 = tpu.vector_load_idx %arg11[%add3A_27, %broadcast_in_dim3A_141] : memref<512x32xf32, #tpu.memory_space<vmem>>[vector<16xi32>, vector<16xi32>], vector<16xf32>,
      %slice3A_144 = vector.extract_strided_slice %get3A_13 {offsets = [11], sizes = [1], strides = [1]} : vector<16xf32> to vector<1xf32>
      %squeeze3A_145 = vector.extract %slice3A_144[0] : f32 from vector<1xf32>
      %mul3A_146 = arith.mulf %gather3A_142, %gather3A_143 : vector<16xf32>
      %mul3A_147 = vector.broadcast %squeeze3A_145 : f32 to vector<16xf32>
      %mul3A_148 = arith.mulf %mul3A_146, %mul3A_147 : vector<16xf32>
      %add3A_149 = arith.addf %add3A_139, %mul3A_148 : vector<16xf32>
      %broadcast_in_dim3A_150 = arith.constant 12 : i32
      %broadcast_in_dim3A_151 = vector.broadcast %broadcast_in_dim3A_150 : i32 to vector<16xi32>
      %gather3A_152 = tpu.vector_load_idx %arg10[%add3A_27, %broadcast_in_dim3A_151] : memref<512x32xf32, #tpu.memory_space<vmem>>[vector<16xi32>, vector<16xi32>], vector<16xf32>,
      %gather3A_153 = tpu.vector_load_idx %arg11[%add3A_27, %broadcast_in_dim3A_151] : memref<512x32xf32, #tpu.memory_space<vmem>>[vector<16xi32>, vector<16xi32>], vector<16xf32>,
      %slice3A_154 = vector.extract_strided_slice %get3A_13 {offsets = [12], sizes = [1], strides = [1]} : vector<16xf32> to vector<1xf32>
      %squeeze3A_155 = vector.extract %slice3A_154[0] : f32 from vector<1xf32>
      %mul3A_156 = arith.mulf %gather3A_152, %gather3A_153 : vector<16xf32>
      %mul3A_157 = vector.broadcast %squeeze3A_155 : f32 to vector<16xf32>
      %mul3A_158 = arith.mulf %mul3A_156, %mul3A_157 : vector<16xf32>
      %add3A_159 = arith.addf %add3A_149, %mul3A_158 : vector<16xf32>
      %broadcast_in_dim3A_160 = arith.constant 13 : i32
      %broadcast_in_dim3A_161 = vector.broadcast %broadcast_in_dim3A_160 : i32 to vector<16xi32>
      %gather3A_162 = tpu.vector_load_idx %arg10[%add3A_27, %broadcast_in_dim3A_161] : memref<512x32xf32, #tpu.memory_space<vmem>>[vector<16xi32>, vector<16xi32>], vector<16xf32>,
      %gather3A_163 = tpu.vector_load_idx %arg11[%add3A_27, %broadcast_in_dim3A_161] : memref<512x32xf32, #tpu.memory_space<vmem>>[vector<16xi32>, vector<16xi32>], vector<16xf32>,
      %slice3A_164 = vector.extract_strided_slice %get3A_13 {offsets = [13], sizes = [1], strides = [1]} : vector<16xf32> to vector<1xf32>
      %squeeze3A_165 = vector.extract %slice3A_164[0] : f32 from vector<1xf32>
      %mul3A_166 = arith.mulf %gather3A_162, %gather3A_163 : vector<16xf32>
      %mul3A_167 = vector.broadcast %squeeze3A_165 : f32 to vector<16xf32>
      %mul3A_168 = arith.mulf %mul3A_166, %mul3A_167 : vector<16xf32>
      %add3A_169 = arith.addf %add3A_159, %mul3A_168 : vector<16xf32>
      %broadcast_in_dim3A_170 = arith.constant 14 : i32
      %broadcast_in_dim3A_171 = vector.broadcast %broadcast_in_dim3A_170 : i32 to vector<16xi32>
      %gather3A_172 = tpu.vector_load_idx %arg10[%add3A_27, %broadcast_in_dim3A_171] : memref<512x32xf32, #tpu.memory_space<vmem>>[vector<16xi32>, vector<16xi32>], vector<16xf32>,
      %gather3A_173 = tpu.vector_load_idx %arg11[%add3A_27, %broadcast_in_dim3A_171] : memref<512x32xf32, #tpu.memory_space<vmem>>[vector<16xi32>, vector<16xi32>], vector<16xf32>,
      %slice3A_174 = vector.extract_strided_slice %get3A_13 {offsets = [14], sizes = [1], strides = [1]} : vector<16xf32> to vector<1xf32>
      %squeeze3A_175 = vector.extract %slice3A_174[0] : f32 from vector<1xf32>
      %mul3A_176 = arith.mulf %gather3A_172, %gather3A_173 : vector<16xf32>
      %mul3A_177 = vector.broadcast %squeeze3A_175 : f32 to vector<16xf32>
      %mul3A_178 = arith.mulf %mul3A_176, %mul3A_177 : vector<16xf32>
      %add3A_179 = arith.addf %add3A_169, %mul3A_178 : vector<16xf32>
      %broadcast_in_dim3A_180 = arith.constant 15 : i32
      %broadcast_in_dim3A_181 = vector.broadcast %broadcast_in_dim3A_180 : i32 to vector<16xi32>
      %gather3A_182 = tpu.vector_load_idx %arg10[%add3A_27, %broadcast_in_dim3A_181] : memref<512x32xf32, #tpu.memory_space<vmem>>[vector<16xi32>, vector<16xi32>], vector<16xf32>,
      %gather3A_183 = tpu.vector_load_idx %arg11[%add3A_27, %broadcast_in_dim3A_181] : memref<512x32xf32, #tpu.memory_space<vmem>>[vector<16xi32>, vector<16xi32>], vector<16xf32>,
      %slice3A_184 = vector.extract_strided_slice %get3A_13 {offsets = [15], sizes = [1], strides = [1]} : vector<16xf32> to vector<1xf32>
      %squeeze3A_185 = vector.extract %slice3A_184[0] : f32 from vector<1xf32>
      %mul3A_186 = arith.mulf %gather3A_182, %gather3A_183 : vector<16xf32>
      %mul3A_187 = vector.broadcast %squeeze3A_185 : f32 to vector<16xf32>
      %mul3A_188 = arith.mulf %mul3A_186, %mul3A_187 : vector<16xf32>
      %add3A_189 = arith.addf %add3A_179, %mul3A_188 : vector<16xf32>
      %broadcast_in_dim3A_190 = arith.constant 16 : i32
      %broadcast_in_dim3A_191 = vector.broadcast %broadcast_in_dim3A_190 : i32 to vector<16xi32>
      %gather3A_192 = tpu.vector_load_idx %arg10[%add3A_27, %broadcast_in_dim3A_191] : memref<512x32xf32, #tpu.memory_space<vmem>>[vector<16xi32>, vector<16xi32>], vector<16xf32>,
      %gather3A_193 = tpu.vector_load_idx %arg11[%add3A_27, %broadcast_in_dim3A_191] : memref<512x32xf32, #tpu.memory_space<vmem>>[vector<16xi32>, vector<16xi32>], vector<16xf32>,
      %slice3A_194 = vector.extract_strided_slice %get3A_15 {offsets = [0], sizes = [1], strides = [1]} : vector<16xf32> to vector<1xf32>
      %squeeze3A_195 = vector.extract %slice3A_194[0] : f32 from vector<1xf32>
      %mul3A_196 = arith.mulf %gather3A_192, %gather3A_193 : vector<16xf32>
      %mul3A_197 = vector.broadcast %squeeze3A_195 : f32 to vector<16xf32>
      %mul3A_198 = arith.mulf %mul3A_196, %mul3A_197 : vector<16xf32>
      %add3A_199 = arith.addf %add3A_189, %mul3A_198 : vector<16xf32>
      %broadcast_in_dim3A_200 = arith.constant 17 : i32
      %broadcast_in_dim3A_201 = vector.broadcast %broadcast_in_dim3A_200 : i32 to vector<16xi32>
      %gather3A_202 = tpu.vector_load_idx %arg10[%add3A_27, %broadcast_in_dim3A_201] : memref<512x32xf32, #tpu.memory_space<vmem>>[vector<16xi32>, vector<16xi32>], vector<16xf32>,
      %gather3A_203 = tpu.vector_load_idx %arg11[%add3A_27, %broadcast_in_dim3A_201] : memref<512x32xf32, #tpu.memory_space<vmem>>[vector<16xi32>, vector<16xi32>], vector<16xf32>,
      %slice3A_204 = vector.extract_strided_slice %get3A_15 {offsets = [1], sizes = [1], strides = [1]} : vector<16xf32> to vector<1xf32>
      %squeeze3A_205 = vector.extract %slice3A_204[0] : f32 from vector<1xf32>
      %mul3A_206 = arith.mulf %gather3A_202, %gather3A_203 : vector<16xf32>
      %mul3A_207 = vector.broadcast %squeeze3A_205 : f32 to vector<16xf32>
      %mul3A_208 = arith.mulf %mul3A_206, %mul3A_207 : vector<16xf32>
      %add3A_209 = arith.addf %add3A_199, %mul3A_208 : vector<16xf32>
      %broadcast_in_dim3A_210 = arith.constant 18 : i32
      %broadcast_in_dim3A_211 = vector.broadcast %broadcast_in_dim3A_210 : i32 to vector<16xi32>
      %gather3A_212 = tpu.vector_load_idx %arg10[%add3A_27, %broadcast_in_dim3A_211] : memref<512x32xf32, #tpu.memory_space<vmem>>[vector<16xi32>, vector<16xi32>], vector<16xf32>,
      %gather3A_213 = tpu.vector_load_idx %arg11[%add3A_27, %broadcast_in_dim3A_211] : memref<512x32xf32, #tpu.memory_space<vmem>>[vector<16xi32>, vector<16xi32>], vector<16xf32>,
      %slice3A_214 = vector.extract_strided_slice %get3A_15 {offsets = [2], sizes = [1], strides = [1]} : vector<16xf32> to vector<1xf32>
      %squeeze3A_215 = vector.extract %slice3A_214[0] : f32 from vector<1xf32>
      %mul3A_216 = arith.mulf %gather3A_212, %gather3A_213 : vector<16xf32>
      %mul3A_217 = vector.broadcast %squeeze3A_215 : f32 to vector<16xf32>
      %mul3A_218 = arith.mulf %mul3A_216, %mul3A_217 : vector<16xf32>
      %add3A_219 = arith.addf %add3A_209, %mul3A_218 : vector<16xf32>
      %broadcast_in_dim3A_220 = arith.constant 19 : i32
      %broadcast_in_dim3A_221 = vector.broadcast %broadcast_in_dim3A_220 : i32 to vector<16xi32>
      %gather3A_222 = tpu.vector_load_idx %arg10[%add3A_27, %broadcast_in_dim3A_221] : memref<512x32xf32, #tpu.memory_space<vmem>>[vector<16xi32>, vector<16xi32>], vector<16xf32>,
      %gather3A_223 = tpu.vector_load_idx %arg11[%add3A_27, %broadcast_in_dim3A_221] : memref<512x32xf32, #tpu.memory_space<vmem>>[vector<16xi32>, vector<16xi32>], vector<16xf32>,
      %slice3A_224 = vector.extract_strided_slice %get3A_15 {offsets = [3], sizes = [1], strides = [1]} : vector<16xf32> to vector<1xf32>
      %squeeze3A_225 = vector.extract %slice3A_224[0] : f32 from vector<1xf32>
      %mul3A_226 = arith.mulf %gather3A_222, %gather3A_223 : vector<16xf32>
      %mul3A_227 = vector.broadcast %squeeze3A_225 : f32 to vector<16xf32>
      %mul3A_228 = arith.mulf %mul3A_226, %mul3A_227 : vector<16xf32>
      %add3A_229 = arith.addf %add3A_219, %mul3A_228 : vector<16xf32>
      %broadcast_in_dim3A_230 = arith.constant 20 : i32
      %broadcast_in_dim3A_231 = vector.broadcast %broadcast_in_dim3A_230 : i32 to vector<16xi32>
      %gather3A_232 = tpu.vector_load_idx %arg10[%add3A_27, %broadcast_in_dim3A_231] : memref<512x32xf32, #tpu.memory_space<vmem>>[vector<16xi32>, vector<16xi32>], vector<16xf32>,
      %gather3A_233 = tpu.vector_load_idx %arg11[%add3A_27, %broadcast_in_dim3A_231] : memref<512x32xf32, #tpu.memory_space<vmem>>[vector<16xi32>, vector<16xi32>], vector<16xf32>,
      %slice3A_234 = vector.extract_strided_slice %get3A_15 {offsets = [4], sizes = [1], strides = [1]} : vector<16xf32> to vector<1xf32>
      %squeeze3A_235 = vector.extract %slice3A_234[0] : f32 from vector<1xf32>
      %mul3A_236 = arith.mulf %gather3A_232, %gather3A_233 : vector<16xf32>
      %mul3A_237 = vector.broadcast %squeeze3A_235 : f32 to vector<16xf32>
      %mul3A_238 = arith.mulf %mul3A_236, %mul3A_237 : vector<16xf32>
      %add3A_239 = arith.addf %add3A_229, %mul3A_238 : vector<16xf32>
      %broadcast_in_dim3A_240 = arith.constant 21 : i32
      %broadcast_in_dim3A_241 = vector.broadcast %broadcast_in_dim3A_240 : i32 to vector<16xi32>
      %gather3A_242 = tpu.vector_load_idx %arg10[%add3A_27, %broadcast_in_dim3A_241] : memref<512x32xf32, #tpu.memory_space<vmem>>[vector<16xi32>, vector<16xi32>], vector<16xf32>,
      %gather3A_243 = tpu.vector_load_idx %arg11[%add3A_27, %broadcast_in_dim3A_241] : memref<512x32xf32, #tpu.memory_space<vmem>>[vector<16xi32>, vector<16xi32>], vector<16xf32>,
      %slice3A_244 = vector.extract_strided_slice %get3A_15 {offsets = [5], sizes = [1], strides = [1]} : vector<16xf32> to vector<1xf32>
      %squeeze3A_245 = vector.extract %slice3A_244[0] : f32 from vector<1xf32>
      %mul3A_246 = arith.mulf %gather3A_242, %gather3A_243 : vector<16xf32>
      %mul3A_247 = vector.broadcast %squeeze3A_245 : f32 to vector<16xf32>
      %mul3A_248 = arith.mulf %mul3A_246, %mul3A_247 : vector<16xf32>
      %add3A_249 = arith.addf %add3A_239, %mul3A_248 : vector<16xf32>
      %broadcast_in_dim3A_250 = arith.constant 22 : i32
      %broadcast_in_dim3A_251 = vector.broadcast %broadcast_in_dim3A_250 : i32 to vector<16xi32>
      %gather3A_252 = tpu.vector_load_idx %arg10[%add3A_27, %broadcast_in_dim3A_251] : memref<512x32xf32, #tpu.memory_space<vmem>>[vector<16xi32>, vector<16xi32>], vector<16xf32>,
      %gather3A_253 = tpu.vector_load_idx %arg11[%add3A_27, %broadcast_in_dim3A_251] : memref<512x32xf32, #tpu.memory_space<vmem>>[vector<16xi32>, vector<16xi32>], vector<16xf32>,
      %slice3A_254 = vector.extract_strided_slice %get3A_15 {offsets = [6], sizes = [1], strides = [1]} : vector<16xf32> to vector<1xf32>
      %squeeze3A_255 = vector.extract %slice3A_254[0] : f32 from vector<1xf32>
      %mul3A_256 = arith.mulf %gather3A_252, %gather3A_253 : vector<16xf32>
      %mul3A_257 = vector.broadcast %squeeze3A_255 : f32 to vector<16xf32>
      %mul3A_258 = arith.mulf %mul3A_256, %mul3A_257 : vector<16xf32>
      %add3A_259 = arith.addf %add3A_249, %mul3A_258 : vector<16xf32>
      %broadcast_in_dim3A_260 = arith.constant 23 : i32
      %broadcast_in_dim3A_261 = vector.broadcast %broadcast_in_dim3A_260 : i32 to vector<16xi32>
      %gather3A_262 = tpu.vector_load_idx %arg10[%add3A_27, %broadcast_in_dim3A_261] : memref<512x32xf32, #tpu.memory_space<vmem>>[vector<16xi32>, vector<16xi32>], vector<16xf32>,
      %gather3A_263 = tpu.vector_load_idx %arg11[%add3A_27, %broadcast_in_dim3A_261] : memref<512x32xf32, #tpu.memory_space<vmem>>[vector<16xi32>, vector<16xi32>], vector<16xf32>,
      %slice3A_264 = vector.extract_strided_slice %get3A_15 {offsets = [7], sizes = [1], strides = [1]} : vector<16xf32> to vector<1xf32>
      %squeeze3A_265 = vector.extract %slice3A_264[0] : f32 from vector<1xf32>
      %mul3A_266 = arith.mulf %gather3A_262, %gather3A_263 : vector<16xf32>
      %mul3A_267 = vector.broadcast %squeeze3A_265 : f32 to vector<16xf32>
      %mul3A_268 = arith.mulf %mul3A_266, %mul3A_267 : vector<16xf32>
      %add3A_269 = arith.addf %add3A_259, %mul3A_268 : vector<16xf32>
      %broadcast_in_dim3A_270 = arith.constant 24 : i32
      %broadcast_in_dim3A_271 = vector.broadcast %broadcast_in_dim3A_270 : i32 to vector<16xi32>
      %gather3A_272 = tpu.vector_load_idx %arg10[%add3A_27, %broadcast_in_dim3A_271] : memref<512x32xf32, #tpu.memory_space<vmem>>[vector<16xi32>, vector<16xi32>], vector<16xf32>,
      %gather3A_273 = tpu.vector_load_idx %arg11[%add3A_27, %broadcast_in_dim3A_271] : memref<512x32xf32, #tpu.memory_space<vmem>>[vector<16xi32>, vector<16xi32>], vector<16xf32>,
      %slice3A_274 = vector.extract_strided_slice %get3A_15 {offsets = [8], sizes = [1], strides = [1]} : vector<16xf32> to vector<1xf32>
      %squeeze3A_275 = vector.extract %slice3A_274[0] : f32 from vector<1xf32>
      %mul3A_276 = arith.mulf %gather3A_272, %gather3A_273 : vector<16xf32>
      %mul3A_277 = vector.broadcast %squeeze3A_275 : f32 to vector<16xf32>
      %mul3A_278 = arith.mulf %mul3A_276, %mul3A_277 : vector<16xf32>
      %add3A_279 = arith.addf %add3A_269, %mul3A_278 : vector<16xf32>
      %broadcast_in_dim3A_280 = arith.constant 25 : i32
      %broadcast_in_dim3A_281 = vector.broadcast %broadcast_in_dim3A_280 : i32 to vector<16xi32>
      %gather3A_282 = tpu.vector_load_idx %arg10[%add3A_27, %broadcast_in_dim3A_281] : memref<512x32xf32, #tpu.memory_space<vmem>>[vector<16xi32>, vector<16xi32>], vector<16xf32>,
      %gather3A_283 = tpu.vector_load_idx %arg11[%add3A_27, %broadcast_in_dim3A_281] : memref<512x32xf32, #tpu.memory_space<vmem>>[vector<16xi32>, vector<16xi32>], vector<16xf32>,
      %slice3A_284 = vector.extract_strided_slice %get3A_15 {offsets = [9], sizes = [1], strides = [1]} : vector<16xf32> to vector<1xf32>
      %squeeze3A_285 = vector.extract %slice3A_284[0] : f32 from vector<1xf32>
      %mul3A_286 = arith.mulf %gather3A_282, %gather3A_283 : vector<16xf32>
      %mul3A_287 = vector.broadcast %squeeze3A_285 : f32 to vector<16xf32>
      %mul3A_288 = arith.mulf %mul3A_286, %mul3A_287 : vector<16xf32>
      %add3A_289 = arith.addf %add3A_279, %mul3A_288 : vector<16xf32>
      %broadcast_in_dim3A_290 = arith.constant 26 : i32
      %broadcast_in_dim3A_291 = vector.broadcast %broadcast_in_dim3A_290 : i32 to vector<16xi32>
      %gather3A_292 = tpu.vector_load_idx %arg10[%add3A_27, %broadcast_in_dim3A_291] : memref<512x32xf32, #tpu.memory_space<vmem>>[vector<16xi32>, vector<16xi32>], vector<16xf32>,
      %gather3A_293 = tpu.vector_load_idx %arg11[%add3A_27, %broadcast_in_dim3A_291] : memref<512x32xf32, #tpu.memory_space<vmem>>[vector<16xi32>, vector<16xi32>], vector<16xf32>,
      %slice3A_294 = vector.extract_strided_slice %get3A_15 {offsets = [10], sizes = [1], strides = [1]} : vector<16xf32> to vector<1xf32>
      %squeeze3A_295 = vector.extract %slice3A_294[0] : f32 from vector<1xf32>
      %mul3A_296 = arith.mulf %gather3A_292, %gather3A_293 : vector<16xf32>
      %mul3A_297 = vector.broadcast %squeeze3A_295 : f32 to vector<16xf32>
      %mul3A_298 = arith.mulf %mul3A_296, %mul3A_297 : vector<16xf32>
      %add3A_299 = arith.addf %add3A_289, %mul3A_298 : vector<16xf32>
      %broadcast_in_dim3A_300 = arith.constant 27 : i32
      %broadcast_in_dim3A_301 = vector.broadcast %broadcast_in_dim3A_300 : i32 to vector<16xi32>
      %gather3A_302 = tpu.vector_load_idx %arg10[%add3A_27, %broadcast_in_dim3A_301] : memref<512x32xf32, #tpu.memory_space<vmem>>[vector<16xi32>, vector<16xi32>], vector<16xf32>,
      %gather3A_303 = tpu.vector_load_idx %arg11[%add3A_27, %broadcast_in_dim3A_301] : memref<512x32xf32, #tpu.memory_space<vmem>>[vector<16xi32>, vector<16xi32>], vector<16xf32>,
      %slice3A_304 = vector.extract_strided_slice %get3A_15 {offsets = [11], sizes = [1], strides = [1]} : vector<16xf32> to vector<1xf32>
      %squeeze3A_305 = vector.extract %slice3A_304[0] : f32 from vector<1xf32>
      %mul3A_306 = arith.mulf %gather3A_302, %gather3A_303 : vector<16xf32>
      %mul3A_307 = vector.broadcast %squeeze3A_305 : f32 to vector<16xf32>
      %mul3A_308 = arith.mulf %mul3A_306, %mul3A_307 : vector<16xf32>
      %add3A_309 = arith.addf %add3A_299, %mul3A_308 : vector<16xf32>
      %broadcast_in_dim3A_310 = arith.constant 28 : i32
      %broadcast_in_dim3A_311 = vector.broadcast %broadcast_in_dim3A_310 : i32 to vector<16xi32>
      %gather3A_312 = tpu.vector_load_idx %arg10[%add3A_27, %broadcast_in_dim3A_311] : memref<512x32xf32, #tpu.memory_space<vmem>>[vector<16xi32>, vector<16xi32>], vector<16xf32>,
      %gather3A_313 = tpu.vector_load_idx %arg11[%add3A_27, %broadcast_in_dim3A_311] : memref<512x32xf32, #tpu.memory_space<vmem>>[vector<16xi32>, vector<16xi32>], vector<16xf32>,
      %slice3A_314 = vector.extract_strided_slice %get3A_15 {offsets = [12], sizes = [1], strides = [1]} : vector<16xf32> to vector<1xf32>
      %squeeze3A_315 = vector.extract %slice3A_314[0] : f32 from vector<1xf32>
      %mul3A_316 = arith.mulf %gather3A_312, %gather3A_313 : vector<16xf32>
      %mul3A_317 = vector.broadcast %squeeze3A_315 : f32 to vector<16xf32>
      %mul3A_318 = arith.mulf %mul3A_316, %mul3A_317 : vector<16xf32>
      %add3A_319 = arith.addf %add3A_309, %mul3A_318 : vector<16xf32>
      %broadcast_in_dim3A_320 = arith.constant 29 : i32
      %broadcast_in_dim3A_321 = vector.broadcast %broadcast_in_dim3A_320 : i32 to vector<16xi32>
      %gather3A_322 = tpu.vector_load_idx %arg10[%add3A_27, %broadcast_in_dim3A_321] : memref<512x32xf32, #tpu.memory_space<vmem>>[vector<16xi32>, vector<16xi32>], vector<16xf32>,
      %gather3A_323 = tpu.vector_load_idx %arg11[%add3A_27, %broadcast_in_dim3A_321] : memref<512x32xf32, #tpu.memory_space<vmem>>[vector<16xi32>, vector<16xi32>], vector<16xf32>,
      %slice3A_324 = vector.extract_strided_slice %get3A_15 {offsets = [13], sizes = [1], strides = [1]} : vector<16xf32> to vector<1xf32>
      %squeeze3A_325 = vector.extract %slice3A_324[0] : f32 from vector<1xf32>
      %mul3A_326 = arith.mulf %gather3A_322, %gather3A_323 : vector<16xf32>
      %mul3A_327 = vector.broadcast %squeeze3A_325 : f32 to vector<16xf32>
      %mul3A_328 = arith.mulf %mul3A_326, %mul3A_327 : vector<16xf32>
      %add3A_329 = arith.addf %add3A_319, %mul3A_328 : vector<16xf32>
      %broadcast_in_dim3A_330 = arith.constant 30 : i32
      %broadcast_in_dim3A_331 = vector.broadcast %broadcast_in_dim3A_330 : i32 to vector<16xi32>
      %gather3A_332 = tpu.vector_load_idx %arg10[%add3A_27, %broadcast_in_dim3A_331] : memref<512x32xf32, #tpu.memory_space<vmem>>[vector<16xi32>, vector<16xi32>], vector<16xf32>,
      %gather3A_333 = tpu.vector_load_idx %arg11[%add3A_27, %broadcast_in_dim3A_331] : memref<512x32xf32, #tpu.memory_space<vmem>>[vector<16xi32>, vector<16xi32>], vector<16xf32>,
      %slice3A_334 = vector.extract_strided_slice %get3A_15 {offsets = [14], sizes = [1], strides = [1]} : vector<16xf32> to vector<1xf32>
      %squeeze3A_335 = vector.extract %slice3A_334[0] : f32 from vector<1xf32>
      %mul3A_336 = arith.mulf %gather3A_332, %gather3A_333 : vector<16xf32>
      %mul3A_337 = vector.broadcast %squeeze3A_335 : f32 to vector<16xf32>
      %mul3A_338 = arith.mulf %mul3A_336, %mul3A_337 : vector<16xf32>
      %add3A_339 = arith.addf %add3A_329, %mul3A_338 : vector<16xf32>
      %broadcast_in_dim3A_340 = arith.constant 31 : i32
      %broadcast_in_dim3A_341 = vector.broadcast %broadcast_in_dim3A_340 : i32 to vector<16xi32>
      %gather3A_342 = tpu.vector_load_idx %arg10[%add3A_27, %broadcast_in_dim3A_341] : memref<512x32xf32, #tpu.memory_space<vmem>>[vector<16xi32>, vector<16xi32>], vector<16xf32>,
      %gather3A_343 = tpu.vector_load_idx %arg11[%add3A_27, %broadcast_in_dim3A_341] : memref<512x32xf32, #tpu.memory_space<vmem>>[vector<16xi32>, vector<16xi32>], vector<16xf32>,
      %slice3A_344 = vector.extract_strided_slice %get3A_15 {offsets = [15], sizes = [1], strides = [1]} : vector<16xf32> to vector<1xf32>
      %squeeze3A_345 = vector.extract %slice3A_344[0] : f32 from vector<1xf32>
      %mul3A_346 = arith.mulf %gather3A_342, %gather3A_343 : vector<16xf32>
      %mul3A_347 = vector.broadcast %squeeze3A_345 : f32 to vector<16xf32>
      %mul3A_348 = arith.mulf %mul3A_346, %mul3A_347 : vector<16xf32>
      %add3A_349 = arith.addf %add3A_339, %mul3A_348 : vector<16xf32>
      %neg3A = arith.constant 0.000000e+00 : f32
      %neg3A_350 = vector.broadcast %neg3A : f32 to vector<16xf32>
      %neg3A_351 = arith.subf %neg3A_350, %add3A_349 : vector<16xf32>
      %exp3A = math.exp %neg3A_351 : vector<16xf32>
      %add3A_352 = arith.constant 1.000000e+00 : f32
      %add3A_353 = vector.broadcast %add3A_352 : f32 to vector<16xf32>
      %add3A_354 = arith.addf %add3A_353, %exp3A : vector<16xf32>
      %div3A = arith.constant 1.000000e+00 : f32
      %div3A_355 = vector.broadcast %div3A : f32 to vector<16xf32>
      %div3A_356 = arith.divf %div3A_355, %add3A_354 : vector<16xf32>
      %mul3A_357 = arith.constant 16 : i32
      %mul3A_358 = arith.muli %scan3A_23, %mul3A_357 : i32
      %swap3A = arith.index_cast %mul3A_358 : i32 to index
      %swap3A_359 = tpu.vector_load %arg13[%swap3A] {strides = array<i32>} : memref<512xf32, #tpu.memory_space<vmem>>, vector<16xf32>,
      tpu.vector_store %arg13[%swap3A], %div3A_356 {strides = array<i32>} : memref<512xf32, #tpu.memory_space<vmem>>, vector<16xf32>,
    }
    %scan3A_22 = arith.constant 32 : i32
    "tpu.region"() ({
      %run_scoped3A = tpu.sem_alloc : memref<!tpu.dma_semaphore, #tpu.memory_space<semaphore_mem>>
      %dma_start3A_23 = tpu.memref_slice %arg7[%mul3A_2] : memref<16384xf32, #tpu.memory_space<hbm>> -> memref<512xf32, #tpu.memory_space<hbm>>
      %dma_start3A_24 = tpu.memref_slice %arg7[%mul3A_2] : memref<16384xf32, #tpu.memory_space<hbm>> -> memref<512xf32, #tpu.memory_space<hbm>>
      tpu.enqueue_dma source(%arg13 : memref<512xf32, #tpu.memory_space<vmem>>) target(%dma_start3A_24 : memref<512xf32, #tpu.memory_space<hbm>>) target_semaphore(%run_scoped3A : memref<!tpu.dma_semaphore, #tpu.memory_space<semaphore_mem>>)
      %dma_wait3A_25 = tpu.memref_slice %arg7[%mul3A_2] : memref<16384xf32, #tpu.memory_space<hbm>> -> memref<512xf32, #tpu.memory_space<hbm>>
      %dma_wait3A_26 = tpu.memref_slice %arg7[%mul3A_2] : memref<16384xf32, #tpu.memory_space<hbm>> -> memref<512xf32, #tpu.memory_space<hbm>>
      tpu.wait_dma2 semaphore(%run_scoped3A : memref<!tpu.dma_semaphore, #tpu.memory_space<semaphore_mem>>) src(%arg13 : memref<512xf32, #tpu.memory_space<vmem>>) dst(%dma_wait3A_26 : memref<512xf32, #tpu.memory_space<hbm>>)
      tpu.yield
    }) : () -> ()
    return
  }
}

</mosaic_0001>

<sc_bundles>
// kernel: kernel.3.cloned.1.call-start
scs
__scs_entry_jumppad:
0x0: {  	(pc) =	sbr.rel $0x88, $3  }
0x1: {  	(tag) =	ssettag $0x0;
	lr =	simm.s32 $0x1  }
0x2: {  	[smem:$0x3F9C] =	sst lr;
	_ =	strace $0xD0000000  }
0x3: {  	_ = 	snop  }
0x4: {  	_ = 	snop  }
0x5: {  	_ = 	snop  }
0x6: {  	_ = 	snop  }
0x7: {  	_ = 	snop  }
__scs_overlays_trampoline_lowered:
0x8: {  	[smem:$0x3FAB] =	sst s0  }
0x9: {  	[smem:$0x3FAC] =	sst s1  }
0xa: {  	[smem:$0x3FAD] =	sst s2  }
0xb: {  	[smem:$0x3FAE] =	sst s3  }
0xc: {  	[smem:$0x3FAF] =	sst s4  }
0xd: {  	[smem:$0x3FB0] =	sst s5  }
0xe: {  	[smem:$0x3FB1] =	sst s6  }
0xf: {  	[smem:$0x3FB2] =	sst s7  }
0x10: {  	[smem:$0x3FB3] =	sst s8  }
0x11: {  	[smem:$0x3FB4] =	sst s9;
	s0 =	simm.s32 @!p0 $0x0  }
0x12: {  	s1 =	sld [smem:$0x3F9A];
	s0 =	simm.s32 @p0 $0x1  }
0x13: {  	[smem:$0x3FB5] =	sst s0;
	s0 =	simm.s32 @!p1 $0x0  }
0x14: {  	s2 =	sld [smem:$0x3F99];
	s0 =	simm.s32 @p1 $0x1  }
0x15: {  	[smem:$0x3FB6] =	sst s0;
	s0 =	simm.s32 @!p2 $0x0  }
0x16: {  	s3 =	sld [smem:$0x3FDB];
	s0 =	simm.s32 @p2 $0x1  }
0x17: {  	s4 =	simm.s32 $0x1BF5;
	[smem:$0x3FB8] =	sst s0  }
0x18: {  	s0 =	sld [smem:$0x3F9B];
	_ =	swait.ge [sflag:s4], $0x0  }
0x19: {  	s7 =	sld [smem:$0x3F9C]  }
0x1a: {  	s8 =	sadd.s32 $0xFFFFE003, lr  }
0x1b: {  	s9 =	sadd.s32 $0xFFFFFEF7, lr;
	s5 =	simm.s32 $0xFFFFFFFF;
	p2 =	slt.u32 s8, $0xFFFFF086  }
0x1c: {  	p1 =	slt.u32 s9, $0xF7A;
	s5 =	simm.s32 @!p2 $0x0  }
0x1d: {  	s5 =	simm.s32 @p1 $0x1;
	p0 =	seq.s32 s7, s2  }
0x1e: {  	s7 =	smul.u32 @!p0 $0xF7A, s2;
	p2 =	seq.s32 @!p0 s5, $0x0  }
0x1f: {  	s9 =	smul.u32 $0xF7A, s1;
	s8 =	simm.s32 @!p0 $0x1BF5;
	p2 =	por !p2, p0  }
0x20: {  	[sflag:s8] =	ssyncset.s32 @!p0 $0xFFFFF086;
	s6 =	sadd.s32 @!p0 s3, s7;
	s7 =	simm.s32 @!p0 $0x108  }
0x21: {  	s3 =	sadd.s32 s3, s9;
	s6 =	sadd.s32 @!p0 $0x88, s6;
	s7 =	simm.s32 @p2 $0x1082  }
0x22: {  	[simem:s7], [sflag:s8] =	dma.local @!p0 [hbm:s6], $0xF7A  }
0x23: {  	s9 =	sor.u32 $0xD0000000, s2;
	s6 =	simm.s32 $0x108;
	_ =	swait.ge @!p0 [sflag:s8], $0x0  }
0x24: {  	s3 =	sadd.s32 $0x88, s3;
	s6 =	simm.s32 @!p1 $0x1082;
	[sflag:s4] =	ssyncset.s32 $0xFFFFF086  }
0x25: {  	[simem:s6], [sflag:s4] =	dma.local [hbm:s3], $0xF7A  }
0x26: {  	[smem:$0x3F9C] =	sst s1;
	(tag) =	ssettag s2;
	_ =	strace s9  }
0x27: {  	s1 =	sld [smem:$0x3FAC]  }
0x28: {  	s2 =	sld [smem:$0x3FAD]  }
0x29: {  	s4 =	sld [smem:$0x3FAF]  }
0x2a: {  	p0 =	seq.s32 s5, $0x0;
	s5 =	sld [smem:$0x3FB0]  }
0x2b: {  	s6 =	sld [smem:$0x3FB1]  }
0x2c: {  	s7 =	sld [smem:$0x3FB2]  }
0x2d: {  	s3 =	simm.s32 $0x108;
	s8 =	sld [smem:$0x3FB3]  }
0x2e: {  	s3 =	simm.s32 @!p0 $0x1082;
	s9 =	sld [smem:$0x3FB4]  }
0x2f: {  	lr =	sadd.s32 s0, s3;
	s0 =	sld [smem:$0x3FAB]  }
0x30: {  	s3 =	sld [smem:$0x3FAE]  }
0x31: {  	[smem:$0x3FB7] =	sst s10  }
0x32: {  	s10 =	sld [smem:$0x3FB5];
	_ =	sdelay $0x3  }
0x33: {  	p0 =	seq.s32 s10, $0x1;
	s10 =	sld [smem:$0x3FB7];
	_ =	sdelay $0x3  }
0x34: {  	[smem:$0x3FB7] =	sst s10  }
0x35: {  	s10 =	sld [smem:$0x3FB6];
	_ =	sdelay $0x3  }
0x36: {  	p1 =	seq.s32 s10, $0x1;
	s10 =	sld [smem:$0x3FB7];
	_ =	sdelay $0x3  }
0x37: {  	[smem:$0x3FB7] =	sst s10  }
0x38: {  	s10 =	sld [smem:$0x3FB8]  }
0x39: {  	_ = 	snop;
	(pc) =	sbr.ind lr, $3  }
0x3a: {  	_ = 	snop  }
0x3b: {  	_ = 	snop  }
0x3c: {  	p2 =	seq.s32 s10, $0x1;
	s10 =	sld [smem:$0x3FB7]  }
0x3d: {  	_ =	shalt  }
0x3e: {  	_ =	shalt  }
0x3f: {  	_ =	shalt  }
0x40: {  	_ =	shalt  }
0x41: {  	_ =	shalt  }
0x42: {  	_ =	shalt  }
0x43: {  	_ =	shalt  }
0x44: {  	_ =	shalt  }
0x45: {  	_ =	shalt  }
0x46: {  	_ =	shalt  }
0x47: {  	_ =	shalt  }
0x48: {  	_ =	shalt  }
0x49: {  	_ =	shalt  }
0x4a: {  	_ =	shalt  }
0x4b: {  	_ =	shalt  }
0x4c: {  	_ =	shalt  }
0x4d: {  	_ =	shalt  }
0x4e: {  	_ =	shalt  }
0x4f: {  	_ =	shalt  }
0x50: {  	_ =	shalt  }
0x51: {  	_ =	shalt  }
0x52: {  	_ =	shalt  }
0x53: {  	_ =	shalt  }
0x54: {  	_ =	shalt  }
0x55: {  	_ =	shalt  }
0x56: {  	_ =	shalt  }
0x57: {  	_ =	shalt  }
0x58: {  	_ =	shalt  }
0x59: {  	_ =	shalt  }
0x5a: {  	_ =	shalt  }
0x5b: {  	_ =	shalt  }
0x5c: {  	_ =	shalt  }
0x5d: {  	_ =	shalt  }
0x5e: {  	_ =	shalt  }
0x5f: {  	_ =	shalt  }
0x60: {  	_ =	shalt  }
0x61: {  	_ =	shalt  }
0x62: {  	_ =	shalt  }
0x63: {  	_ =	shalt  }
0x64: {  	_ =	shalt  }
0x65: {  	_ =	shalt  }
0x66: {  	_ =	shalt  }
0x67: {  	_ =	shalt  }
0x68: {  	_ =	shalt  }
0x69: {  	_ =	shalt  }
0x6a: {  	_ =	shalt  }
0x6b: {  	_ =	shalt  }
0x6c: {  	_ =	shalt  }
0x6d: {  	_ =	shalt  }
0x6e: {  	_ =	shalt  }
0x6f: {  	_ =	shalt  }
0x70: {  	_ =	shalt  }
0x71: {  	_ =	shalt  }
0x72: {  	_ =	shalt  }
0x73: {  	_ =	shalt  }
0x74: {  	_ =	shalt  }
0x75: {  	_ =	shalt  }
0x76: {  	_ =	shalt  }
0x77: {  	_ =	shalt  }
0x78: {  	_ =	shalt  }
0x79: {  	_ =	shalt  }
0x7a: {  	_ =	shalt  }
0x7b: {  	_ =	shalt  }
0x7c: {  	_ =	shalt  }
0x7d: {  	_ =	shalt  }
0x7e: {  	_ =	shalt  }
0x7f: {  	_ =	shalt  }
0x80: {  	_ =	shalt  }
0x81: {  	_ =	shalt  }
0x82: {  	_ =	shalt  }
0x83: {  	_ =	shalt  }
0x84: {  	_ =	shalt  }
0x85: {  	_ =	shalt  }
0x86: {  	_ =	shalt  }
0x87: {  	_ =	shalt  }
.Lfunc_end0:
.L_simem_size_0:
called_computation_lowered:
.L_overlay_start_0:
0x88: {  	s2 =	sld [smem:$0x3FD9]  }
0x89: {  	s3 =	sld [smem:$0x3FFE];
	_ =	sdelay $0x1  }
0x8a: {  	s1 =	srdreg.scid  }
0x8b: {  	s0 =	sand.u32 $0x1, s1  }
0x8c: {  	s17 =	sshll.u32 s0, $0xA;
	s2 =	sadd.s32 s3, s2  }
0x8d: {  	s2 =	sadd.s32 s2, s17  }
0x8e: {  	[smem:$0x3FC3] =	sst s2  }
0x8f: {  	_ = 	snop  }
0x90: {  	s2 =	sld [smem:$0x3FD0];
	(tm) =	ssettm $0x1  }
0x91: {  	s18 =	sld [smem:$0x3FFB];
	_ =	sdelay $0x3  }
0x92: {  	_ =	strace s18  }
0x93: {  	s3 =	sld [smem:$0x3FFC];
	_ =	sdelay $0x3  }
0x94: {  	_ =	strace s3  }
0x95: {  	s3 =	sld [smem:$0x3FFD];
	_ =	sdelay $0x3  }
0x96: {  	_ =	strace s3  }
0x97: {  	_ =	strace $0x8FFFFFFF  }
0x98: {  	s19 =	sld [smem:$0x3FDB];
	_ =	sdelay $0x1  }
0x99: {  	s4 =	simm.s32 $_scs_section_size  }
0x9a: {  	s5 =	simm.s32 $_size__tile_overlayer_lowered;
	s6 =	simm.s32 $_tile_overlayer_lowered  }
0x9b: {  	s22 =	simm.s32 $0x1BFF;
	s21 =	sshll.u32 s6, $0x1;
	s3 =	sadd.s32 s4, s19  }
0x9c: {  	s7 =	simm.s32 $0x0;
	s20 =	sshll.u32 s5, $0x1;
	s5 =	sadd.s32 s21, s3  }
0x9d: {  	[timem:s7], [sflag:s22] =	dma.local [hbm:s5], s20  }
0x9e: {  	_ =	swait.ge [sflag:s22], s20  }
0x9f: {  	s4 =	ssub.s32 $0x0, s20;
	[sflag:s22] =	ssyncset.done $0x0  }
0xa0: {  	[sflag:s22] =	ssyncadd.s32 s4;
	_ =	sdelay $0x1  }
0xa1: {  	s23 =	simm.s32 $0x1B8B  }
0xa2: {  	_ =	swait.ge [sflag:s23], $0x1  }
0xa3: {  	[sflag:s23] =	ssyncset.done $0x0  }
0xa4: {  	s25 =	simm.s32 $0x1B8E;
	s24 =	sld [smem:$0x3FFE];
	[sflag:s23] =	ssyncadd.s32 $0xFFFFFFFF  }
0xa5: {  	s26 =	simm.s32 $execute0_lowered;
	[smem:$0x3FD2] =	sst s25  }
0xa6: {  	s5 =	sshll.u32 s26, $0x1;
	_ =	strace $0x80000046;
	[dreg:$0x1] =	wrdreg $0xFFFFFFFF  }
0xa7: {  	s28 =	simm.s32 $_size_execute0_lowered;
	s3 =	sadd.s32 s3, s5;
	[dreg:$0x0] =	wrdreg $0x0  }
0xa8: {  	s5 =	sshll.u32 s28, $0x1;
	[dreg:$0x2] =	wrdreg s3  }
0xa9: {  	[dreg:$0x3] =	wrdreg s5  }
0xaa: {  	[dreg:$0x4] =	wrdreg $0xC0  }
0xab: {  	_ =	task [dreg:s7], $0x5FFFF  }
0xac: {  	[dreg:$0x1] =	wrdreg $0xFFFFFFFF  }
0xad: {  	[dreg:$0x0] =	wrdreg $0x60  }
0xae: {  	[dreg:$0x2] =	wrdreg s24  }
0xaf: {  	[dreg:$0x3] =	wrdreg s2  }
0xb0: {  	[dreg:$0x4] =	wrdreg $0x9  }
0xb1: {  	_ =	task.clear_ibuf [dreg:s7], $0x5FFFF;
	_ =	strace $0x90000046  }
0xb2: {  	s29 =	simm.s32 $0x9;
	_ =	strace $0x80000048  }
0xb3: {  	_ =	swait.ge [sflag:s29], $0x1  }
0xb4: {  	[sflag:s29] =	ssyncadd.s32 $0xFFFFFFFF  }
0xb5: {  	_ =	strace $0x90000048  }
0xb6: {  	_ =	sfence  }
0xb7: {  	s30 =	sld [smem:$0x0];
	_ =	sdelay $0x2  }
0xb8: {  	s31 =	sshll.u32 s1, $0xD;
	s1 =	sshrl.u32 s1, $0x2  }
0xb9: {  	s3 =	sand.u32 $0x4000, s31;
	s1 =	sadd.s32 s1, s30  }
0xba: {  	s0 =	sor.u32 s3, s0;
	s1 =	sshll.u32 s1, $0x11  }
0xbb: {  	s0 =	sor.u32 s1, s0  }
0xbc: {  	s0 =	sadd.s32 $0x8F2B, s0  }
0xbd: {  	[sflag:s0] =	ssyncadd.remote.s32 $0x1  }
0xbe: {  	_ =	sfence.sel $0xFFFF  }
0xbf: {  	[dreg:$0x0] =	wrdreg $0xFFFFFFFF;
	(pc) =	sbr.abs _section_cstart, $3  }
0xc0: {  	[dreg:$0x1] =	wrdreg $0xFFFFFFFF  }
0xc1: {  	_ =	task.clear_ibuf [dreg:s7], $0x2FFFF;
	_ =	strace $0x9FFFFFFF  }
0xc2: {  	(tm) =	ssettm $0x7FFFFFFF  }
0xc3: {  	_ =	shalt  }
tec
execute0_lowered:
.L_overlay_start_1:
0x0: {  	(tag) =	ssettag $0x1  }
0x1: {  	s5 =	rddreg [dreg:$0x0]  }
0x2: {  	s8 =	rddreg [dreg:$0x1];
	s2 =	srdreg.scid  }
0x3: {  	s0 =	rddreg [dreg:$0x2];
	s1 =	stileid.u32  }
0x4: {  	s11 =	simm.s32 $0x3;
	s12 =	simm.s32 $0x200;
	s13 =	simm.s32 $0x400  }
0x5: {  	s14 =	simm.s32 $0x4400;
	s15 =	simm.s32 $0x1;
	s16 =	simm.s32 $0x2  }
0x6: {  	s17 =	simm.s32 $0x8428;
	s18 =	simm.s32 $0x0;
	s3 =	sand.u32 $0x1, s2  }
0x7: {  	s2 =	simm.s32 $0x0;
	s4 =	sshll.u32 s1, $0x7;
	s6 =	sshll.u32 s3, $0x6  }
0x8: {  	[smem:$0x7FF] =	sst s2;
	s31 =	ssub.s32 $0x2, s3;
	s3 =	sadd.s32 $0x1314600, s5  }
0x9: {  	s9 =	sor.u32 s6, s4;
	_ =	strace $0x80000047;
	s4 =	sadd.s32 $0xF43C00, s5  }
0xa: {  	v0 =	vlaneseq.u32;
	s10 =	sshrl.u32 s31, $0x1;
	s7 =	sadd.s32 s9, s5;
	s5 =	sadd.s32 $0x1800, s5  }
0xb: {  	v0 =	vmul.u32 $0x20, v0;
	s10 =	ssub.s32 s31, s10;
	s8 =	sadd.s32 s8, s9;
	s6 =	sadd.s32 $0x1000, s7  }
0xc: {  	s7 =	sadd.s32 $0x800, s7;
	s9 =	smax.u32 s10, $0x1;
	s10 =	simm.s32 $0x8400  }
.LBB2_1:
0xd: {  	[tilespmem:s10], [sflag:$0x3] =	stream.linear.gather [hbm4b:s5+s2], $0x28, $0x38;
	[tilespmem:$0x8628] =	vst v63  }
0xe: {  	_ =	swait.ge [sflag:s11], $0x28  }
0xf: {  	[sflag:s11] =	ssyncset.done $0x0  }
0x10: {  	[sflag:s11] =	ssyncadd.s32 $0xFFFFFFD8  }
0x11: {  	[tilespmem:s2], [sflag:$0x3] =	stream.linear.gather [hbm4b:s6+s2], $0x200, $0x38;
	[tilespmem:$0x8628] =	vst v63  }
0x12: {  	_ =	swait.ge [sflag:s11], $0x200  }
0x13: {  	[sflag:s11] =	ssyncset.done $0x0  }
0x14: {  	[sflag:s11] =	ssyncadd.s32 $0xFFFFFE00  }
0x15: {  	[tilespmem:s12], [sflag:$0x3] =	stream.linear.gather [hbm4b:s7+s2], $0x200, $0x38;
	[tilespmem:$0x8628] =	vst v63  }
0x16: {  	_ =	swait.ge [sflag:s11], $0x200  }
0x17: {  	[sflag:s11] =	ssyncset.done $0x0  }
0x18: {  	[sflag:s11] =	ssyncadd.s32 $0xFFFFFE00  }
0x19: {  	[tilespmem:s13], [sflag:$0x1] =	stream.indirect.gather [hbm4b:s3+s12], $0x20, s2, s12, $0xb8;
	[tilespmem:$0x8628] =	vst v63  }
0x1a: {  	_ = 	snop  }
0x1b: {  	[tilespmem:s14], [sflag:$0x2] =	stream.indirect.gather [hbm4b:s4+s12], $0x20, s12, s12, $0xb8;
	[tilespmem:$0x8628] =	vst v63  }
0x1c: {  	_ =	swait.ge [sflag:s15], $0x4000  }
0x1d: {  	v1 =	vmov s2;
	[sflag:s15] =	ssyncset.done $0x0  }
0x1e: {  	v1 =	vshll.u32 v1, $0x5;
	[sflag:s15] =	ssyncadd.s32 $0xFFFFC000  }
0x1f: {  	v29 =	vor.u32 v0, v1;
	_ =	swait.ge [sflag:s16], $0x4000  }
0x20: {  	[sflag:s16] =	ssyncset.done $0x0  }
0x21: {  	v1 =	vor.u32 $0x1, v29;
	[sflag:s16] =	ssyncadd.s32 $0xFFFFC000  }
0x22: {  	v17 =	vld [tilespmem:$0x8400]  }
0x23: {  	v3 =	vor.u32 $0x2, v29;
	v2 =	vld [tilespmem:$0x8418]  }
0x24: {  	v4 =	vld.idx.msk [tilespmem:v29+s14+$0x0], $0xffff  }
0x25: {  	v7 =	vor.u32 $0x3, v29;
	v6 =	vld.idx.msk [tilespmem:v29+s13+$0x0], $0xffff  }
0x26: {  	v10 =	vor.u32 $0x4, v29;
	v8 =	vld.idx.msk [tilespmem:v1+s13+$0x0], $0xffff  }
0x27: {  	v13 =	vor.u32 $0x5, v29;
	v9 =	vld.idx.msk [tilespmem:v1+s14+$0x0], $0xffff  }
0x28: {  	v11 =	vld.idx.msk [tilespmem:v3+s13+$0x0], $0xffff  }
0x29: {  	v12 =	vld.idx.msk [tilespmem:v3+s14+$0x0], $0xffff  }
0x2a: {  	v14 =	vld.idx.msk [tilespmem:v7+s13+$0x0], $0xffff  }
0x2b: {  	v15 =	vld.idx.msk [tilespmem:v10+s13+$0x0], $0xffff  }
0x2c: {  	v16 =	vld.idx.msk [tilespmem:v13+s13+$0x0], $0xffff  }
0x2d: {  	v3 =	vmul.f32 v4, v6;
	v6 =	vld.idx.msk [tilespmem:v7+s14+$0x0], $0xffff;
	v7 =	vor.u32 $0x6, v29  }
0x2e: {  	v13 =	vld.idx.msk [tilespmem:v13+s14+$0x0], $0xffff;
	v1 =	vadd.f32 $0.0e+00, v2;
	v5 =	vbroadcast v17, $0x0;
	v2 =	vbroadcast v17, $0x1  }
0x2f: {  	v8 =	vmul.f32 v9, v8;
	v9 =	vld.idx.msk [tilespmem:v10+s14+$0x0], $0xffff;
	v10 =	vor.u32 $0x7, v29;
	v11 =	vmul.f32 v12, v11  }
0x30: {  	v12 =	vor.u32 $0x8, v29;
	v1 =	vbroadcast v1, $0x8;
	v4 =	vmul.f32 v3, v5;
	_ =	sdelay $0x1  }
0x31: {  	v3 =	vbroadcast v17, $0x2;
	v8 =	vmul.f32 v8, v2;
	v18 =	vadd.f32 v4, v1;
	v19 =	vld.idx.msk [tilespmem:v7+s13+$0x0], $0xffff  }
0x32: {  	v13 =	vmul.f32 v13, v16;
	v16 =	vor.u32 $0xB, v29;
	v4 =	vbroadcast v17, $0x3;
	v20 =	vld.idx.msk [tilespmem:v7+s14+$0x0], $0xffff  }
0x33: {  	v11 =	vmul.f32 v11, v3;
	v14 =	vmul.f32 v6, v14;
	v21 =	vld.idx.msk [tilespmem:v10+s13+$0x0], $0xffff;
	v8 =	vadd.f32 v8, v18  }
0x34: {  	v9 =	vmul.f32 v9, v15;
	v15 =	vld.idx.msk [tilespmem:v12+s13+$0x0], $0xffff;
	v18 =	vor.u32 $0x9, v29  }
0x35: {  	v6 =	vbroadcast v17, $0x4;
	v12 =	vld.idx.msk [tilespmem:v12+s14+$0x0], $0xffff;
	v8 =	vadd.f32 v11, v8;
	v11 =	vmul.f32 v14, v4  }
0x36: {  	v7 =	vbroadcast v17, $0x5;
	v10 =	vld.idx.msk [tilespmem:v10+s14+$0x0], $0xffff;
	v14 =	vor.u32 $0xA, v29  }
0x37: {  	v24 =	vld.idx.msk [tilespmem:v16+s13+$0x0], $0xffff;
	v9 =	vmul.f32 v9, v6;
	v11 =	vadd.f32 v11, v8  }
0x38: {  	v16 =	vld.idx.msk [tilespmem:v16+s14+$0x0], $0xffff;
	v13 =	vmul.f32 v13, v7;
	v8 =	vbroadcast v17, $0x6  }
0x39: {  	v19 =	vmul.f32 v20, v19;
	v20 =	vor.u32 $0xC, v29;
	v22 =	vld.idx.msk [tilespmem:v18+s13+$0x0], $0xffff;
	v11 =	vadd.f32 v9, v11  }
0x3a: {  	v12 =	vmul.f32 v12, v15;
	v15 =	vor.u32 $0xE, v29;
	v18 =	vld.idx.msk [tilespmem:v18+s14+$0x0], $0xffff;
	v9 =	vbroadcast v17, $0x7  }
0x3b: {  	v23 =	vld.idx.msk [tilespmem:v14+s13+$0x0], $0xffff;
	v11 =	vadd.f32 v13, v11;
	v13 =	vmul.f32 v19, v8;
	v19 =	vmul.f32 v10, v21  }
0x3c: {  	v14 =	vld.idx.msk [tilespmem:v14+s14+$0x0], $0xffff;
	v10 =	vbroadcast v17, $0x8  }
0x3d: {  	v33 =	vld [tilespmem:$0x8410];
	v21 =	vor.u32 $0xD, v29;
	v13 =	vadd.f32 v13, v11;
	v19 =	vmul.f32 v19, v9  }
0x3e: {  	v16 =	vmul.f32 v16, v24;
	v24 =	vor.u32 $0x11, v29;
	v25 =	vld.idx.msk [tilespmem:v20+s13+$0x0], $0xffff;
	v11 =	vbroadcast v17, $0x9  }
0x3f: {  	v20 =	vld.idx.msk [tilespmem:v20+s14+$0x0], $0xffff;
	v18 =	vmul.f32 v18, v22;
	v13 =	vadd.f32 v19, v13;
	v19 =	vmul.f32 v12, v10  }
0x40: {  	v27 =	vld.idx.msk [tilespmem:v15+s13+$0x0], $0xffff;
	v22 =	vor.u32 $0xF, v29;
	v12 =	vbroadcast v17, $0xA  }
0x41: {  	v28 =	vld.idx.msk [tilespmem:v15+s14+$0x0], $0xffff;
	v18 =	vmul.f32 v18, v11;
	v14 =	vmul.f32 v14, v23;
	v19 =	vadd.f32 v19, v13  }
0x42: {  	v23 =	vor.u32 $0x10, v29;
	v26 =	vld.idx.msk [tilespmem:v21+s13+$0x0], $0xffff  }
0x43: {  	v21 =	vld.idx.msk [tilespmem:v21+s14+$0x0], $0xffff;
	v13 =	vbroadcast v17, $0xB;
	v18 =	vadd.f32 v18, v19;
	v19 =	vmul.f32 v14, v12  }
0x44: {  	v31 =	vld.idx.msk [tilespmem:v24+s13+$0x0], $0xffff;
	v14 =	vbroadcast v17, $0xC  }
0x45: {  	v30 =	vld.idx.msk [tilespmem:v22+s13+$0x0], $0xffff;
	v16 =	vmul.f32 v16, v13;
	v18 =	vadd.f32 v19, v18;
	v19 =	vmul.f32 v20, v25  }
0x46: {  	v22 =	vld.idx.msk [tilespmem:v22+s14+$0x0], $0xffff;
	v20 =	vor.u32 $0x12, v29  }
0x47: {  	v24 =	vld.idx.msk [tilespmem:v24+s14+$0x0], $0xffff;
	v18 =	vadd.f32 v16, v18;
	v19 =	vmul.f32 v19, v14  }
0x48: {  	v15 =	vbroadcast v17, $0xD;
	v25 =	vld.idx.msk [tilespmem:v23+s13+$0x0], $0xffff;
	v21 =	vmul.f32 v21, v26;
	v26 =	vor.u32 $0x13, v29  }
0x49: {  	v23 =	vld.idx.msk [tilespmem:v23+s14+$0x0], $0xffff;
	v16 =	vbroadcast v17, $0xE;
	v18 =	vadd.f32 v19, v18  }
0x4a: {  	v19 =	vmul.f32 v21, v15;
	v21 =	vmul.f32 v28, v27;
	v27 =	vor.u32 $0x14, v29  }
0x4b: {  	v17 =	vbroadcast v17, $0xF;
	v22 =	vmul.f32 v22, v30;
	v28 =	vld.idx.msk [tilespmem:v20+s13+$0x0], $0xffff  }
0x4c: {  	v30 =	vor.u32 $0x15, v29;
	v32 =	vld.idx.msk [tilespmem:v20+s14+$0x0], $0xffff;
	v19 =	vadd.f32 v19, v18;
	v21 =	vmul.f32 v21, v16  }
0x4d: {  	v24 =	vmul.f32 v24, v31;
	v31 =	vor.u32 $0x17, v29;
	v34 =	vld.idx.msk [tilespmem:v26+s13+$0x0], $0xffff;
	v18 =	vbroadcast v33, $0x0  }
0x4e: {  	v20 =	vadd.f32 v21, v19;
	v21 =	vmul.f32 v22, v17;
	v22 =	vmul.f32 v23, v25;
	v25 =	vld.idx.msk [tilespmem:v26+s14+$0x0], $0xffff  }
0x4f: {  	v23 =	vor.u32 $0x16, v29;
	v26 =	vld.idx.msk [tilespmem:v27+s13+$0x0], $0xffff  }
0x50: {  	v19 =	vbroadcast v33, $0x1;
	v27 =	vld.idx.msk [tilespmem:v27+s14+$0x0], $0xffff;
	v21 =	vadd.f32 v21, v20;
	v22 =	vmul.f32 v22, v18  }
0x51: {  	v53 =	vor.u32 $0x18, v29;
	v35 =	vld.idx.msk [tilespmem:v30+s13+$0x0], $0xffff;
	v20 =	vbroadcast v33, $0x2  }
0x52: {  	v30 =	vld.idx.msk [tilespmem:v30+s14+$0x0], $0xffff;
	v24 =	vmul.f32 v24, v19;
	v28 =	vmul.f32 v32, v28;
	v22 =	vadd.f32 v22, v21  }
0x53: {  	v54 =	vor.u32 $0x19, v29;
	v38 =	vld.idx.msk [tilespmem:v31+s13+$0x0], $0xffff;
	v21 =	vbroadcast v33, $0x3  }
0x54: {  	v28 =	vmul.f32 v28, v20;
	v36 =	vld.idx.msk [tilespmem:v23+s13+$0x0], $0xffff;
	v25 =	vmul.f32 v25, v34;
	v24 =	vadd.f32 v24, v22  }
0x55: {  	v37 =	vld.idx.msk [tilespmem:v23+s14+$0x0], $0xffff;
	v22 =	vbroadcast v33, $0x4;
	v26 =	vmul.f32 v27, v26  }
0x56: {  	v32 =	vld.idx.msk [tilespmem:v53+s14+$0x0], $0xffff;
	v27 =	vor.u32 $0x1A, v29;
	v25 =	vmul.f32 v25, v21;
	v24 =	vadd.f32 v28, v24  }
0x57: {  	v30 =	vmul.f32 v30, v35;
	v23 =	vbroadcast v33, $0x5;
	v28 =	vld.idx.msk [tilespmem:v31+s14+$0x0], $0xffff  }
0x58: {  	v55 =	vor.u32 $0x1B, v29;
	v31 =	vld.idx.msk [tilespmem:v53+s13+$0x0], $0xffff;
	v26 =	vmul.f32 v26, v22;
	v25 =	vadd.f32 v25, v24  }
0x59: {  	v56 =	vor.u32 $0x1C, v29;
	v39 =	vld.idx.msk [tilespmem:v54+s13+$0x0], $0xffff;
	v30 =	vmul.f32 v30, v23  }
0x5a: {  	v34 =	vld.idx.msk [tilespmem:v54+s14+$0x0], $0xffff;
	v24 =	vbroadcast v33, $0x6;
	v36 =	vmul.f32 v37, v36;
	v26 =	vadd.f32 v26, v25  }
0x5b: {  	v57 =	vor.u32 $0x1D, v29;
	v40 =	vld.idx.msk [tilespmem:v27+s13+$0x0], $0xffff;
	v25 =	vbroadcast v33, $0x7  }
0x5c: {  	v41 =	vld.idx.msk [tilespmem:v27+s14+$0x0], $0xffff;
	v36 =	vmul.f32 v36, v24;
	v28 =	vmul.f32 v28, v38;
	v30 =	vadd.f32 v30, v26  }
0x5d: {  	v58 =	vor.u32 $0x1E, v29;
	v42 =	vld.idx.msk [tilespmem:v55+s13+$0x0], $0xffff;
	v31 =	vmul.f32 v32, v31  }
0x5e: {  	v35 =	vld.idx.msk [tilespmem:v55+s14+$0x0], $0xffff;
	v26 =	vbroadcast v33, $0x8;
	v28 =	vmul.f32 v28, v25;
	v30 =	vadd.f32 v36, v30  }
0x5f: {  	v59 =	vld.idx.msk [tilespmem:v56+s13+$0x0], $0xffff;
	v34 =	vmul.f32 v34, v39  }
0x60: {  	v43 =	vld.idx.msk [tilespmem:v57+s13+$0x0], $0xffff;
	v27 =	vbroadcast v33, $0x9;
	v31 =	vmul.f32 v31, v26;
	v30 =	vadd.f32 v28, v30  }
0x61: {  	v60 =	vor.u32 $0x1F, v29;
	v37 =	vld.idx.msk [tilespmem:v56+s14+$0x0], $0xffff;
	v61 =	vmul.f32 v41, v40  }
0x62: {  	v38 =	vld.idx.msk [tilespmem:v57+s14+$0x0], $0xffff;
	v28 =	vbroadcast v33, $0xA;
	v30 =	vadd.f32 v31, v30;
	v31 =	vmul.f32 v34, v27  }
0x63: {  	v62 =	vld.idx.msk [tilespmem:v58+s13+$0x0], $0xffff;
	v29 =	vbroadcast v33, $0xB;
	v35 =	vmul.f32 v35, v42  }
0x64: {  	v63 =	vld.idx.msk [tilespmem:v58+s14+$0x0], $0xffff;
	v34 =	vmul.f32 v61, v28;
	v31 =	vadd.f32 v31, v30  }
0x65: {  	v47 =	vmul.f32 v35, v29  }
0x66: {  	v45 =	vld.idx.msk [tilespmem:v60+s13+$0x0], $0xffff;
	v48 =	vmul.f32 v37, v59;
	v30 =	vbroadcast v33, $0xC;
	v46 =	vadd.f32 v34, v31  }
0x67: {  	v49 =	vld.idx.msk [tilespmem:v60+s14+$0x0], $0xffff;
	v50 =	vmul.f32 v38, v43  }
0x68: {  	v31 =	vbroadcast v33, $0xD;
	v35 =	vmul.f32 v48, v30;
	v34 =	vadd.f32 v47, v46  }
0x69: {  	v52 =	vmul.f32 v63, v62;
	v32 =	vbroadcast v33, $0xE  }
0x6a: {  	v51 =	vmul.f32 v50, v31;
	v34 =	vadd.f32 v35, v34  }
0x6b: {  	v53 =	vmul.f32 v52, v32  }
0x6c: {  	v36 =	vmul.f32 v49, v45;
	v33 =	vbroadcast v33, $0xF;
	v34 =	vadd.f32 v51, v34;
	_ =	sdelay $0x1  }
0x6d: {  	v54 =	vmul.f32 v36, v33;
	v34 =	vadd.f32 v53, v34;
	_ =	sdelay $0x1  }
0x6e: {  	v34 =	vadd.f32 v54, v34;
	_ =	sdelay $0x1  }
0x6f: {  	v34 =	vsub.f32 $0.0e+00, v34;
	_ =	sdelay $0x1  }
0x70: {  	v34 =	vmul.f32 $1.442695020e+00, v34;
	_ =	sdelay $0x1  }
0x71: {  	(erf) = vpow2.f32 v34;
	_ =	sdelay $0x8  }
0x72: {  	v34 =	vpop (erf)  }
0x73: {  	v34 =	vadd.f32 $1.000000000e+00, v34;
	_ =	sdelay $0x1  }
0x74: {  	(erf) = vrcp.f32 v34;
	_ =	sdelay $0x2  }
0x75: {  	s19 =	simm.s32 $0x10  }
0x76: {  	v55 =	vmov s19  }
0x77: {  	v34 =	vshll.u32 v55, $0x5  }
0x78: {  	v34 =	vor.u32 v0, v34;
	_ =	sdelay $0x1  }
0x79: {  	v56 =	vor.u32 $0x1, v34  }
0x7a: {  	v57 =	vpop (erf)  }
0x7b: {  	v58 =	vor.u32 $0x2, v34;
	[tilespmem:s17+$0x0] =	vst v57  }
0x7c: {  	v36 =	vld.idx.msk [tilespmem:v34+s14+$0x0], $0xffff  }
0x7d: {  	v60 =	vor.u32 $0x3, v34;
	v59 =	vld.idx.msk [tilespmem:v34+s13+$0x0], $0xffff  }
0x7e: {  	v61 =	vld.idx.msk [tilespmem:v56+s13+$0x0], $0xffff  }
0x7f: {  	v62 =	vor.u32 $0x4, v34;
	v35 =	vld.idx.msk [tilespmem:v56+s14+$0x0], $0xffff  }
0x80: {  	v63 =	vld.idx.msk [tilespmem:v58+s13+$0x0], $0xffff  }
0x81: {  	v48 =	vor.u32 $0x5, v34;
	v37 =	vld.idx.msk [tilespmem:v58+s14+$0x0], $0xffff  }
0x82: {  	v44 =	vld.idx.msk [tilespmem:v60+s13+$0x0], $0xffff;
	v36 =	vmul.f32 v36, v59  }
0x83: {  	v50 =	vor.u32 $0x6, v34;
	v49 =	vld.idx.msk [tilespmem:v60+s14+$0x0], $0xffff  }
0x84: {  	v45 =	vld.idx.msk [tilespmem:v62+s13+$0x0], $0xffff;
	v35 =	vmul.f32 v35, v61;
	v36 =	vmul.f32 v36, v5  }
0x85: {  	v52 =	vor.u32 $0x7, v34;
	v51 =	vld.idx.msk [tilespmem:v62+s14+$0x0], $0xffff  }
0x86: {  	v46 =	vld.idx.msk [tilespmem:v48+s13+$0x0], $0xffff;
	v37 =	vmul.f32 v37, v63;
	v35 =	vmul.f32 v35, v2;
	v36 =	vadd.f32 v36, v1  }
0x87: {  	v53 =	vor.u32 $0x8, v34;
	v43 =	vld.idx.msk [tilespmem:v48+s14+$0x0], $0xffff  }
0x88: {  	v47 =	vld.idx.msk [tilespmem:v50+s13+$0x0], $0xffff;
	v55 =	vmul.f32 v49, v44;
	v54 =	vmul.f32 v37, v3;
	v35 =	vadd.f32 v35, v36  }
0x89: {  	v56 =	vor.u32 $0x9, v34;
	v39 =	vld.idx.msk [tilespmem:v50+s14+$0x0], $0xffff  }
0x8a: {  	v57 =	vld.idx.msk [tilespmem:v52+s13+$0x0], $0xffff;
	v59 =	vmul.f32 v51, v45;
	v58 =	vmul.f32 v55, v4;
	v35 =	vadd.f32 v54, v35  }
0x8b: {  	v60 =	vor.u32 $0xA, v34;
	v41 =	vld.idx.msk [tilespmem:v52+s14+$0x0], $0xffff  }
0x8c: {  	v42 =	vld.idx.msk [tilespmem:v53+s14+$0x0], $0xffff;
	v63 =	vmul.f32 v43, v46;
	v62 =	vmul.f32 v59, v6;
	v35 =	vadd.f32 v58, v35  }
0x8d: {  	v48 =	vor.u32 $0xB, v34;
	v61 =	vld.idx.msk [tilespmem:v53+s13+$0x0], $0xffff  }
0x8e: {  	v49 =	vld.idx.msk [tilespmem:v56+s13+$0x0], $0xffff;
	v51 =	vmul.f32 v39, v47;
	v50 =	vmul.f32 v63, v7;
	v35 =	vadd.f32 v62, v35  }
0x8f: {  	v52 =	vor.u32 $0xC, v34;
	v38 =	vld.idx.msk [tilespmem:v56+s14+$0x0], $0xffff  }
0x90: {  	v53 =	vld.idx.msk [tilespmem:v60+s13+$0x0], $0xffff;
	v55 =	vmul.f32 v41, v57;
	v54 =	vmul.f32 v51, v8;
	v35 =	vadd.f32 v50, v35  }
0x91: {  	v56 =	vor.u32 $0xD, v34;
	v40 =	vld.idx.msk [tilespmem:v60+s14+$0x0], $0xffff  }
0x92: {  	v43 =	vld.idx.msk [tilespmem:v48+s14+$0x0], $0xffff;
	v59 =	vmul.f32 v42, v61;
	v58 =	vmul.f32 v55, v9;
	v35 =	vadd.f32 v54, v35  }
0x93: {  	v60 =	vor.u32 $0xE, v34;
	v57 =	vld.idx.msk [tilespmem:v48+s13+$0x0], $0xffff  }
0x94: {  	v39 =	vld.idx.msk [tilespmem:v52+s14+$0x0], $0xffff;
	v63 =	vmul.f32 v38, v49;
	v62 =	vmul.f32 v59, v10;
	v35 =	vadd.f32 v58, v35  }
0x95: {  	v48 =	vor.u32 $0xF, v34;
	v61 =	vld.idx.msk [tilespmem:v52+s13+$0x0], $0xffff  }
0x96: {  	v49 =	vld.idx.msk [tilespmem:v56+s13+$0x0], $0xffff;
	v51 =	vmul.f32 v40, v53;
	v50 =	vmul.f32 v63, v11;
	v35 =	vadd.f32 v62, v35  }
0x97: {  	v52 =	vor.u32 $0x10, v34;
	v41 =	vld.idx.msk [tilespmem:v56+s14+$0x0], $0xffff  }
0x98: {  	v42 =	vld.idx.msk [tilespmem:v60+s14+$0x0], $0xffff;
	v55 =	vmul.f32 v43, v57;
	v54 =	vmul.f32 v51, v12;
	v35 =	vadd.f32 v50, v35  }
0x99: {  	v56 =	vor.u32 $0x11, v34;
	v53 =	vld.idx.msk [tilespmem:v60+s13+$0x0], $0xffff  }
0x9a: {  	v38 =	vld.idx.msk [tilespmem:v48+s14+$0x0], $0xffff;
	v59 =	vmul.f32 v39, v61;
	v58 =	vmul.f32 v55, v13;
	v35 =	vadd.f32 v54, v35  }
0x9b: {  	v60 =	vor.u32 $0x12, v34;
	v57 =	vld.idx.msk [tilespmem:v48+s13+$0x0], $0xffff  }
0x9c: {  	v40 =	vld.idx.msk [tilespmem:v52+s14+$0x0], $0xffff;
	v63 =	vmul.f32 v41, v49;
	v62 =	vmul.f32 v59, v14;
	v35 =	vadd.f32 v58, v35  }
0x9d: {  	v48 =	vor.u32 $0x13, v34;
	v61 =	vld.idx.msk [tilespmem:v52+s13+$0x0], $0xffff  }
0x9e: {  	v43 =	vld.idx.msk [tilespmem:v56+s14+$0x0], $0xffff;
	v51 =	vmul.f32 v42, v53;
	v50 =	vmul.f32 v63, v15;
	v35 =	vadd.f32 v62, v35  }
0x9f: {  	v52 =	vor.u32 $0x14, v34;
	v49 =	vld.idx.msk [tilespmem:v56+s13+$0x0], $0xffff  }
0xa0: {  	v39 =	vld.idx.msk [tilespmem:v60+s14+$0x0], $0xffff;
	v55 =	vmul.f32 v38, v57;
	v54 =	vmul.f32 v51, v16;
	v35 =	vadd.f32 v50, v35  }
0xa1: {  	v56 =	vor.u32 $0x15, v34;
	v53 =	vld.idx.msk [tilespmem:v60+s13+$0x0], $0xffff  }
0xa2: {  	v41 =	vld.idx.msk [tilespmem:v48+s14+$0x0], $0xffff;
	v59 =	vmul.f32 v40, v61;
	v58 =	vmul.f32 v55, v17;
	v35 =	vadd.f32 v54, v35  }
0xa3: {  	v60 =	vor.u32 $0x16, v34;
	v57 =	vld.idx.msk [tilespmem:v48+s13+$0x0], $0xffff  }
0xa4: {  	v42 =	vld.idx.msk [tilespmem:v52+s14+$0x0], $0xffff;
	v63 =	vmul.f32 v43, v49;
	v62 =	vmul.f32 v59, v18;
	v35 =	vadd.f32 v58, v35  }
0xa5: {  	v48 =	vor.u32 $0x17, v34;
	v61 =	vld.idx.msk [tilespmem:v52+s13+$0x0], $0xffff  }
0xa6: {  	v38 =	vld.idx.msk [tilespmem:v56+s14+$0x0], $0xffff;
	v51 =	vmul.f32 v39, v53;
	v50 =	vmul.f32 v63, v19;
	v35 =	vadd.f32 v62, v35  }
0xa7: {  	v52 =	vor.u32 $0x18, v34;
	v49 =	vld.idx.msk [tilespmem:v56+s13+$0x0], $0xffff  }
0xa8: {  	v40 =	vld.idx.msk [tilespmem:v60+s14+$0x0], $0xffff;
	v55 =	vmul.f32 v41, v57;
	v54 =	vmul.f32 v51, v20;
	v35 =	vadd.f32 v50, v35  }
0xa9: {  	v56 =	vor.u32 $0x19, v34;
	v53 =	vld.idx.msk [tilespmem:v60+s13+$0x0], $0xffff  }
0xaa: {  	v43 =	vld.idx.msk [tilespmem:v48+s14+$0x0], $0xffff;
	v59 =	vmul.f32 v42, v61;
	v58 =	vmul.f32 v55, v21;
	v35 =	vadd.f32 v54, v35  }
0xab: {  	v60 =	vor.u32 $0x1A, v34;
	v57 =	vld.idx.msk [tilespmem:v48+s13+$0x0], $0xffff  }
0xac: {  	v39 =	vld.idx.msk [tilespmem:v52+s14+$0x0], $0xffff;
	v63 =	vmul.f32 v38, v49;
	v62 =	vmul.f32 v59, v22;
	v35 =	vadd.f32 v58, v35  }
0xad: {  	v48 =	vor.u32 $0x1B, v34;
	v61 =	vld.idx.msk [tilespmem:v52+s13+$0x0], $0xffff  }
0xae: {  	v41 =	vld.idx.msk [tilespmem:v56+s14+$0x0], $0xffff;
	v51 =	vmul.f32 v40, v53;
	v50 =	vmul.f32 v63, v23;
	v35 =	vadd.f32 v62, v35  }
0xaf: {  	v52 =	vor.u32 $0x1C, v34;
	v49 =	vld.idx.msk [tilespmem:v56+s13+$0x0], $0xffff  }
0xb0: {  	v42 =	vld.idx.msk [tilespmem:v60+s14+$0x0], $0xffff;
	v55 =	vmul.f32 v43, v57;
	v54 =	vmul.f32 v51, v24;
	v35 =	vadd.f32 v50, v35  }
0xb1: {  	v56 =	vor.u32 $0x1D, v34;
	v53 =	vld.idx.msk [tilespmem:v60+s13+$0x0], $0xffff  }
0xb2: {  	v38 =	vld.idx.msk [tilespmem:v48+s14+$0x0], $0xffff;
	v59 =	vmul.f32 v39, v61;
	v58 =	vmul.f32 v55, v25;
	v35 =	vadd.f32 v54, v35  }
0xb3: {  	v60 =	vor.u32 $0x1E, v34;
	v57 =	vld.idx.msk [tilespmem:v48+s13+$0x0], $0xffff  }
0xb4: {  	v40 =	vld.idx.msk [tilespmem:v52+s14+$0x0], $0xffff;
	v63 =	vmul.f32 v41, v49;
	v62 =	vmul.f32 v59, v26;
	v35 =	vadd.f32 v58, v35  }
0xb5: {  	v34 =	vor.u32 $0x1F, v34;
	v61 =	vld.idx.msk [tilespmem:v52+s13+$0x0], $0xffff  }
0xb6: {  	v46 =	vld.idx.msk [tilespmem:v56+s13+$0x0], $0xffff;
	v49 =	vmul.f32 v42, v53;
	v48 =	vmul.f32 v63, v27;
	v35 =	vadd.f32 v62, v35  }
0xb7: {  	v50 =	vld.idx.msk [tilespmem:v56+s14+$0x0], $0xffff  }
0xb8: {  	v53 =	vmul.f32 v38, v57;
	v51 =	vld.idx.msk [tilespmem:v60+s13+$0x0], $0xffff;
	v52 =	vmul.f32 v49, v28;
	v35 =	vadd.f32 v48, v35  }
0xb9: {  	v54 =	vld.idx.msk [tilespmem:v60+s14+$0x0], $0xffff  }
0xba: {  	v57 =	vmul.f32 v40, v61;
	v55 =	vld.idx.msk [tilespmem:v34+s13+$0x0], $0xffff;
	v56 =	vmul.f32 v53, v29;
	v35 =	vadd.f32 v52, v35  }
0xbb: {  	v34 =	vld.idx.msk [tilespmem:v34+s14+$0x0], $0xffff  }
0xbc: {  	v58 =	vmul.f32 v57, v30;
	v59 =	vmul.f32 v50, v46;
	v35 =	vadd.f32 v56, v35;
	_ =	sdelay $0x1  }
0xbd: {  	v60 =	vmul.f32 v59, v31;
	v61 =	vmul.f32 v54, v51;
	v35 =	vadd.f32 v58, v35;
	_ =	sdelay $0x1  }
0xbe: {  	v34 =	vmul.f32 v34, v55;
	v62 =	vmul.f32 v61, v32;
	v35 =	vadd.f32 v60, v35;
	_ =	sdelay $0x1  }
0xbf: {  	v34 =	vmul.f32 v34, v33;
	v35 =	vadd.f32 v62, v35;
	_ =	sdelay $0x1  }
0xc0: {  	v34 =	vadd.f32 v34, v35;
	_ =	sdelay $0x1  }
0xc1: {  	v34 =	vsub.f32 $0.0e+00, v34;
	_ =	sdelay $0x1  }
0xc2: {  	v34 =	vmul.f32 $1.442695020e+00, v34;
	_ =	sdelay $0x1  }
0xc3: {  	(erf) = vpow2.f32 v34;
	_ =	sdelay $0x8  }
0xc4: {  	v34 =	vpop (erf)  }
0xc5: {  	v34 =	vadd.f32 $1.000000000e+00, v34;
	_ =	sdelay $0x1  }
0xc6: {  	(erf) = vrcp.f32 v34;
	_ =	sdelay $0x2  }
0xc7: {  	s31 =	simm.s32 $0x20  }
0xc8: {  	v63 =	vmov s31  }
0xc9: {  	s20 =	simm.s32 $0x30;
	s19 =	simm.s32 $0x8428;
	v34 =	vshll.u32 v63, $0x5  }
.LBB2_2:
0xca: {  	p0 =	sne.s32 s20, $0x1F0;
	v34 =	vor.u32 v0, v34;
	_ =	sdelay $0x1  }
0xcb: {  	v35 =	vor.u32 $0x1, v34  }
0xcc: {  	s19 =	sadd.s32 $0x10, s19;
	v36 =	vpop (erf)  }
0xcd: {  	v37 =	vor.u32 $0x2, v34;
	[tilespmem:s19+$0x0] =	vst v36  }
0xce: {  	v36 =	vld.idx.msk [tilespmem:v34+s14+$0x0], $0xffff  }
0xcf: {  	v39 =	vor.u32 $0x3, v34;
	v38 =	vld.idx.msk [tilespmem:v34+s13+$0x0], $0xffff  }
0xd0: {  	v40 =	vld.idx.msk [tilespmem:v35+s13+$0x0], $0xffff  }
0xd1: {  	v41 =	vor.u32 $0x4, v34;
	v35 =	vld.idx.msk [tilespmem:v35+s14+$0x0], $0xffff  }
0xd2: {  	v42 =	vld.idx.msk [tilespmem:v37+s13+$0x0], $0xffff  }
0xd3: {  	v43 =	vor.u32 $0x5, v34;
	v37 =	vld.idx.msk [tilespmem:v37+s14+$0x0], $0xffff  }
0xd4: {  	v44 =	vld.idx.msk [tilespmem:v39+s13+$0x0], $0xffff  }
0xd5: {  	v36 =	vmul.f32 v36, v38;
	v38 =	vld.idx.msk [tilespmem:v39+s14+$0x0], $0xffff;
	v39 =	vor.u32 $0x6, v34  }
0xd6: {  	v45 =	vld.idx.msk [tilespmem:v41+s13+$0x0], $0xffff  }
0xd7: {  	v36 =	vmul.f32 v36, v5;
	v35 =	vmul.f32 v35, v40;
	v40 =	vld.idx.msk [tilespmem:v41+s14+$0x0], $0xffff;
	v41 =	vor.u32 $0x7, v34  }
0xd8: {  	v47 =	vor.u32 $0x8, v34;
	v46 =	vld.idx.msk [tilespmem:v43+s13+$0x0], $0xffff  }
0xd9: {  	v36 =	vadd.f32 v36, v1;
	v35 =	vmul.f32 v35, v2;
	v37 =	vmul.f32 v37, v42;
	v42 =	vld.idx.msk [tilespmem:v43+s14+$0x0], $0xffff  }
0xda: {  	v48 =	vor.u32 $0x9, v34;
	v43 =	vld.idx.msk [tilespmem:v39+s13+$0x0], $0xffff  }
0xdb: {  	v35 =	vadd.f32 v35, v36;
	v36 =	vmul.f32 v37, v3;
	v37 =	vmul.f32 v38, v44;
	v38 =	vld.idx.msk [tilespmem:v39+s14+$0x0], $0xffff  }
0xdc: {  	v44 =	vor.u32 $0xA, v34;
	v39 =	vld.idx.msk [tilespmem:v41+s13+$0x0], $0xffff  }
0xdd: {  	v35 =	vadd.f32 v36, v35;
	v36 =	vmul.f32 v37, v4;
	v37 =	vmul.f32 v40, v45;
	v40 =	vld.idx.msk [tilespmem:v41+s14+$0x0], $0xffff  }
0xde: {  	v45 =	vor.u32 $0xB, v34;
	v41 =	vld.idx.msk [tilespmem:v47+s13+$0x0], $0xffff  }
0xdf: {  	v35 =	vadd.f32 v36, v35;
	v36 =	vmul.f32 v37, v6;
	v37 =	vmul.f32 v42, v46;
	v42 =	vld.idx.msk [tilespmem:v47+s14+$0x0], $0xffff  }
0xe0: {  	v47 =	vor.u32 $0xC, v34;
	v46 =	vld.idx.msk [tilespmem:v48+s13+$0x0], $0xffff  }
0xe1: {  	v35 =	vadd.f32 v36, v35;
	v36 =	vmul.f32 v37, v7;
	v37 =	vmul.f32 v38, v43;
	v38 =	vld.idx.msk [tilespmem:v48+s14+$0x0], $0xffff  }
0xe2: {  	v48 =	vor.u32 $0xD, v34;
	v43 =	vld.idx.msk [tilespmem:v44+s13+$0x0], $0xffff  }
0xe3: {  	v35 =	vadd.f32 v36, v35;
	v36 =	vmul.f32 v37, v8;
	v37 =	vmul.f32 v40, v39;
	v39 =	vld.idx.msk [tilespmem:v44+s14+$0x0], $0xffff  }
0xe4: {  	v44 =	vor.u32 $0xE, v34;
	v40 =	vld.idx.msk [tilespmem:v45+s13+$0x0], $0xffff  }
0xe5: {  	v35 =	vadd.f32 v36, v35;
	v36 =	vmul.f32 v37, v9;
	v37 =	vmul.f32 v42, v41;
	v41 =	vld.idx.msk [tilespmem:v45+s14+$0x0], $0xffff  }
0xe6: {  	v45 =	vor.u32 $0xF, v34;
	v42 =	vld.idx.msk [tilespmem:v47+s13+$0x0], $0xffff  }
0xe7: {  	v35 =	vadd.f32 v36, v35;
	v36 =	vmul.f32 v37, v10;
	v37 =	vmul.f32 v38, v46;
	v38 =	vld.idx.msk [tilespmem:v47+s14+$0x0], $0xffff  }
0xe8: {  	v47 =	vor.u32 $0x10, v34;
	v46 =	vld.idx.msk [tilespmem:v48+s13+$0x0], $0xffff  }
0xe9: {  	v35 =	vadd.f32 v36, v35;
	v36 =	vmul.f32 v37, v11;
	v37 =	vmul.f32 v39, v43;
	v39 =	vld.idx.msk [tilespmem:v48+s14+$0x0], $0xffff  }
0xea: {  	v48 =	vor.u32 $0x11, v34;
	v43 =	vld.idx.msk [tilespmem:v44+s13+$0x0], $0xffff  }
0xeb: {  	v35 =	vadd.f32 v36, v35;
	v36 =	vmul.f32 v37, v12;
	v37 =	vmul.f32 v41, v40;
	v40 =	vld.idx.msk [tilespmem:v44+s14+$0x0], $0xffff  }
0xec: {  	v44 =	vor.u32 $0x12, v34;
	v41 =	vld.idx.msk [tilespmem:v45+s13+$0x0], $0xffff  }
0xed: {  	v35 =	vadd.f32 v36, v35;
	v36 =	vmul.f32 v37, v13;
	v37 =	vmul.f32 v38, v42;
	v38 =	vld.idx.msk [tilespmem:v45+s14+$0x0], $0xffff  }
0xee: {  	v45 =	vor.u32 $0x13, v34;
	v42 =	vld.idx.msk [tilespmem:v47+s13+$0x0], $0xffff  }
0xef: {  	v35 =	vadd.f32 v36, v35;
	v36 =	vmul.f32 v37, v14;
	v37 =	vmul.f32 v39, v46;
	v39 =	vld.idx.msk [tilespmem:v47+s14+$0x0], $0xffff  }
0xf0: {  	v47 =	vor.u32 $0x14, v34;
	v46 =	vld.idx.msk [tilespmem:v48+s13+$0x0], $0xffff  }
0xf1: {  	v35 =	vadd.f32 v36, v35;
	v36 =	vmul.f32 v37, v15;
	v37 =	vmul.f32 v40, v43;
	v40 =	vld.idx.msk [tilespmem:v48+s14+$0x0], $0xffff  }
0xf2: {  	v48 =	vor.u32 $0x15, v34;
	v43 =	vld.idx.msk [tilespmem:v44+s13+$0x0], $0xffff  }
0xf3: {  	v35 =	vadd.f32 v36, v35;
	v36 =	vmul.f32 v37, v16;
	v37 =	vmul.f32 v38, v41;
	v38 =	vld.idx.msk [tilespmem:v44+s14+$0x0], $0xffff  }
0xf4: {  	v44 =	vor.u32 $0x16, v34;
	v41 =	vld.idx.msk [tilespmem:v45+s13+$0x0], $0xffff  }
0xf5: {  	v35 =	vadd.f32 v36, v35;
	v36 =	vmul.f32 v37, v17;
	v37 =	vmul.f32 v39, v42;
	v39 =	vld.idx.msk [tilespmem:v45+s14+$0x0], $0xffff  }
0xf6: {  	v45 =	vor.u32 $0x17, v34;
	v42 =	vld.idx.msk [tilespmem:v47+s13+$0x0], $0xffff  }
0xf7: {  	v35 =	vadd.f32 v36, v35;
	v36 =	vmul.f32 v37, v18;
	v37 =	vmul.f32 v40, v46;
	v40 =	vld.idx.msk [tilespmem:v47+s14+$0x0], $0xffff  }
0xf8: {  	v47 =	vor.u32 $0x18, v34;
	v46 =	vld.idx.msk [tilespmem:v48+s13+$0x0], $0xffff  }
0xf9: {  	v35 =	vadd.f32 v36, v35;
	v36 =	vmul.f32 v37, v19;
	v37 =	vmul.f32 v38, v43;
	v38 =	vld.idx.msk [tilespmem:v48+s14+$0x0], $0xffff  }
0xfa: {  	v48 =	vor.u32 $0x19, v34;
	v43 =	vld.idx.msk [tilespmem:v44+s13+$0x0], $0xffff  }
0xfb: {  	v35 =	vadd.f32 v36, v35;
	v36 =	vmul.f32 v37, v20;
	v37 =	vmul.f32 v39, v41;
	v39 =	vld.idx.msk [tilespmem:v44+s14+$0x0], $0xffff  }
0xfc: {  	v44 =	vor.u32 $0x1A, v34;
	v41 =	vld.idx.msk [tilespmem:v45+s13+$0x0], $0xffff  }
0xfd: {  	v35 =	vadd.f32 v36, v35;
	v36 =	vmul.f32 v37, v21;
	v37 =	vmul.f32 v40, v42;
	v40 =	vld.idx.msk [tilespmem:v45+s14+$0x0], $0xffff  }
0xfe: {  	v45 =	vor.u32 $0x1B, v34;
	v42 =	vld.idx.msk [tilespmem:v47+s13+$0x0], $0xffff  }
0xff: {  	v35 =	vadd.f32 v36, v35;
	v36 =	vmul.f32 v37, v22;
	v37 =	vmul.f32 v38, v46;
	v38 =	vld.idx.msk [tilespmem:v47+s14+$0x0], $0xffff  }
0x100: {  	v47 =	vor.u32 $0x1C, v34;
	v46 =	vld.idx.msk [tilespmem:v48+s13+$0x0], $0xffff  }
0x101: {  	v35 =	vadd.f32 v36, v35;
	v36 =	vmul.f32 v37, v23;
	v37 =	vmul.f32 v39, v43;
	v39 =	vld.idx.msk [tilespmem:v48+s14+$0x0], $0xffff  }
0x102: {  	v48 =	vor.u32 $0x1D, v34;
	v43 =	vld.idx.msk [tilespmem:v44+s13+$0x0], $0xffff  }
0x103: {  	v35 =	vadd.f32 v36, v35;
	v36 =	vmul.f32 v37, v24;
	v37 =	vmul.f32 v40, v41;
	v40 =	vld.idx.msk [tilespmem:v44+s14+$0x0], $0xffff  }
0x104: {  	v44 =	vor.u32 $0x1E, v34;
	v41 =	vld.idx.msk [tilespmem:v45+s13+$0x0], $0xffff  }
0x105: {  	v35 =	vadd.f32 v36, v35;
	v36 =	vmul.f32 v37, v25;
	v37 =	vmul.f32 v38, v42;
	v38 =	vld.idx.msk [tilespmem:v45+s14+$0x0], $0xffff  }
0x106: {  	v34 =	vor.u32 $0x1F, v34;
	v42 =	vld.idx.msk [tilespmem:v47+s13+$0x0], $0xffff  }
0x107: {  	v35 =	vadd.f32 v36, v35;
	v36 =	vmul.f32 v37, v26;
	v37 =	vmul.f32 v39, v46;
	v39 =	vld.idx.msk [tilespmem:v47+s14+$0x0], $0xffff  }
0x108: {  	v45 =	vld.idx.msk [tilespmem:v48+s13+$0x0], $0xffff  }
0x109: {  	v35 =	vadd.f32 v36, v35;
	v36 =	vmul.f32 v37, v27;
	v37 =	vmul.f32 v40, v43;
	v40 =	vld.idx.msk [tilespmem:v48+s14+$0x0], $0xffff  }
0x10a: {  	v43 =	vld.idx.msk [tilespmem:v44+s13+$0x0], $0xffff  }
0x10b: {  	v35 =	vadd.f32 v36, v35;
	v36 =	vmul.f32 v37, v28;
	v37 =	vmul.f32 v38, v41;
	v38 =	vld.idx.msk [tilespmem:v44+s14+$0x0], $0xffff  }
0x10c: {  	v41 =	vld.idx.msk [tilespmem:v34+s13+$0x0], $0xffff  }
0x10d: {  	v35 =	vadd.f32 v36, v35;
	v36 =	vmul.f32 v37, v29;
	v37 =	vmul.f32 v39, v42;
	v34 =	vld.idx.msk [tilespmem:v34+s14+$0x0], $0xffff;
	_ =	sdelay $0x1  }
0x10e: {  	v35 =	vadd.f32 v36, v35;
	v36 =	vmul.f32 v37, v30;
	v37 =	vmul.f32 v40, v45;
	_ =	sdelay $0x1  }
0x10f: {  	v35 =	vadd.f32 v36, v35;
	v36 =	vmul.f32 v37, v31;
	v37 =	vmul.f32 v38, v43;
	_ =	sdelay $0x1  }
0x110: {  	v35 =	vadd.f32 v36, v35;
	v36 =	vmul.f32 v37, v32;
	v34 =	vmul.f32 v34, v41;
	_ =	sdelay $0x1  }
0x111: {  	v35 =	vadd.f32 v36, v35;
	v34 =	vmul.f32 v34, v33;
	_ =	sdelay $0x1  }
0x112: {  	v34 =	vadd.f32 v34, v35;
	_ =	sdelay $0x1  }
0x113: {  	v34 =	vsub.f32 $0.0e+00, v34;
	_ =	sdelay $0x1  }
0x114: {  	v34 =	vmul.f32 $1.442695020e+00, v34;
	_ =	sdelay $0x1  }
0x115: {  	(erf) = vpow2.f32 v34;
	_ =	sdelay $0x8  }
0x116: {  	v34 =	vpop (erf)  }
0x117: {  	v34 =	vadd.f32 $1.000000000e+00, v34;
	_ =	sdelay $0x1  }
0x118: {  	(erf) = vrcp.f32 v34  }
.Ltmp0:
0x119: {  	(pc) =	sbr.rel @p0 .LBB2_2-.Ltmp0, $3  }
0x11a: {  	_ =	sdelay $0x1  }
0x11b: {  	v34 =	vmov s20  }
0x11c: {  	s20 =	sadd.s32 $0x10, s20;
	v34 =	vshll.u32 v34, $0x5  }
0x11d: {  	v34 =	vor.u32 v0, v34;
	_ =	sdelay $0x1  }
0x11e: {  	v35 =	vor.u32 $0x1, v34  }
0x11f: {  	s19 =	sadd.s32 $0x10, s19;
	v36 =	vpop (erf)  }
0x120: {  	v37 =	vor.u32 $0x2, v34;
	[tilespmem:s19+$0x0] =	vst v36  }
0x121: {  	v36 =	vld.idx.msk [tilespmem:v34+s14+$0x0], $0xffff  }
0x122: {  	v39 =	vor.u32 $0x3, v34;
	v38 =	vld.idx.msk [tilespmem:v34+s13+$0x0], $0xffff  }
0x123: {  	v40 =	vld.idx.msk [tilespmem:v35+s13+$0x0], $0xffff  }
0x124: {  	v41 =	vor.u32 $0x4, v34;
	v35 =	vld.idx.msk [tilespmem:v35+s14+$0x0], $0xffff  }
0x125: {  	v42 =	vld.idx.msk [tilespmem:v37+s13+$0x0], $0xffff  }
0x126: {  	v43 =	vor.u32 $0x5, v34;
	v37 =	vld.idx.msk [tilespmem:v37+s14+$0x0], $0xffff  }
0x127: {  	v44 =	vld.idx.msk [tilespmem:v39+s13+$0x0], $0xffff;
	v36 =	vmul.f32 v36, v38  }
0x128: {  	v53 =	vor.u32 $0x6, v34;
	v52 =	vld.idx.msk [tilespmem:v39+s14+$0x0], $0xffff  }
0x129: {  	v45 =	vld.idx.msk [tilespmem:v41+s13+$0x0], $0xffff;
	v35 =	vmul.f32 v35, v40;
	v5 =	vmul.f32 v36, v5  }
0x12a: {  	v55 =	vor.u32 $0x7, v34;
	v54 =	vld.idx.msk [tilespmem:v41+s14+$0x0], $0xffff  }
0x12b: {  	v56 =	vld.idx.msk [tilespmem:v43+s13+$0x0], $0xffff;
	v57 =	vmul.f32 v37, v42;
	v2 =	vmul.f32 v35, v2;
	v1 =	vadd.f32 v5, v1  }
0x12c: {  	v58 =	vor.u32 $0x8, v34;
	v59 =	vld.idx.msk [tilespmem:v43+s14+$0x0], $0xffff  }
0x12d: {  	v60 =	vld.idx.msk [tilespmem:v53+s13+$0x0], $0xffff;
	v1 =	vadd.f32 v2, v1;
	v2 =	vmul.f32 v57, v3;
	v3 =	vmul.f32 v52, v44  }
0x12e: {  	v61 =	vor.u32 $0x9, v34;
	v62 =	vld.idx.msk [tilespmem:v53+s14+$0x0], $0xffff  }
0x12f: {  	v63 =	vld.idx.msk [tilespmem:v55+s13+$0x0], $0xffff;
	v1 =	vadd.f32 v2, v1;
	v2 =	vmul.f32 v3, v4;
	v3 =	vmul.f32 v54, v45  }
0x130: {  	v44 =	vor.u32 $0xA, v34;
	v45 =	vld.idx.msk [tilespmem:v55+s14+$0x0], $0xffff  }
0x131: {  	v46 =	vld.idx.msk [tilespmem:v58+s13+$0x0], $0xffff;
	v1 =	vadd.f32 v2, v1;
	v2 =	vmul.f32 v3, v6;
	v3 =	vmul.f32 v59, v56  }
0x132: {  	v47 =	vor.u32 $0xB, v34;
	v35 =	vld.idx.msk [tilespmem:v58+s14+$0x0], $0xffff  }
0x133: {  	v48 =	vld.idx.msk [tilespmem:v61+s13+$0x0], $0xffff;
	v1 =	vadd.f32 v2, v1;
	v2 =	vmul.f32 v3, v7;
	v3 =	vmul.f32 v62, v60  }
0x134: {  	v49 =	vor.u32 $0xC, v34;
	v5 =	vld.idx.msk [tilespmem:v61+s14+$0x0], $0xffff  }
0x135: {  	v50 =	vld.idx.msk [tilespmem:v44+s13+$0x0], $0xffff;
	v1 =	vadd.f32 v2, v1;
	v2 =	vmul.f32 v3, v8;
	v3 =	vmul.f32 v45, v63  }
0x136: {  	v51 =	vor.u32 $0xD, v34;
	v4 =	vld.idx.msk [tilespmem:v44+s14+$0x0], $0xffff  }
0x137: {  	v52 =	vld.idx.msk [tilespmem:v47+s13+$0x0], $0xffff;
	v1 =	vadd.f32 v2, v1;
	v2 =	vmul.f32 v3, v9;
	v3 =	vmul.f32 v35, v46  }
0x138: {  	v53 =	vor.u32 $0xE, v34;
	v6 =	vld.idx.msk [tilespmem:v47+s14+$0x0], $0xffff  }
0x139: {  	v54 =	vld.idx.msk [tilespmem:v49+s13+$0x0], $0xffff;
	v1 =	vadd.f32 v2, v1;
	v2 =	vmul.f32 v3, v10;
	v3 =	vmul.f32 v5, v48  }
0x13a: {  	v55 =	vor.u32 $0xF, v34;
	v7 =	vld.idx.msk [tilespmem:v49+s14+$0x0], $0xffff  }
0x13b: {  	v56 =	vld.idx.msk [tilespmem:v51+s13+$0x0], $0xffff;
	v1 =	vadd.f32 v2, v1;
	v2 =	vmul.f32 v3, v11;
	v3 =	vmul.f32 v4, v50  }
0x13c: {  	v57 =	vor.u32 $0x10, v34;
	v8 =	vld.idx.msk [tilespmem:v51+s14+$0x0], $0xffff  }
0x13d: {  	v58 =	vld.idx.msk [tilespmem:v53+s13+$0x0], $0xffff;
	v1 =	vadd.f32 v2, v1;
	v2 =	vmul.f32 v3, v12;
	v3 =	vmul.f32 v6, v52  }
0x13e: {  	v59 =	vor.u32 $0x11, v34;
	v9 =	vld.idx.msk [tilespmem:v53+s14+$0x0], $0xffff  }
0x13f: {  	v60 =	vld.idx.msk [tilespmem:v55+s13+$0x0], $0xffff;
	v1 =	vadd.f32 v2, v1;
	v2 =	vmul.f32 v3, v13;
	v3 =	vmul.f32 v7, v54  }
0x140: {  	v61 =	vor.u32 $0x12, v34;
	v5 =	vld.idx.msk [tilespmem:v55+s14+$0x0], $0xffff  }
0x141: {  	v62 =	vld.idx.msk [tilespmem:v57+s13+$0x0], $0xffff;
	v1 =	vadd.f32 v2, v1;
	v2 =	vmul.f32 v3, v14;
	v3 =	vmul.f32 v8, v56  }
0x142: {  	v63 =	vor.u32 $0x13, v34;
	v4 =	vld.idx.msk [tilespmem:v57+s14+$0x0], $0xffff  }
0x143: {  	v35 =	vld.idx.msk [tilespmem:v59+s13+$0x0], $0xffff;
	v1 =	vadd.f32 v2, v1;
	v2 =	vmul.f32 v3, v15;
	v3 =	vmul.f32 v9, v58  }
0x144: {  	v36 =	vor.u32 $0x14, v34;
	v6 =	vld.idx.msk [tilespmem:v59+s14+$0x0], $0xffff  }
0x145: {  	v37 =	vld.idx.msk [tilespmem:v61+s13+$0x0], $0xffff;
	v1 =	vadd.f32 v2, v1;
	v2 =	vmul.f32 v3, v16;
	v3 =	vmul.f32 v5, v60  }
0x146: {  	v38 =	vor.u32 $0x15, v34;
	v7 =	vld.idx.msk [tilespmem:v61+s14+$0x0], $0xffff  }
0x147: {  	v39 =	vld.idx.msk [tilespmem:v63+s13+$0x0], $0xffff;
	v1 =	vadd.f32 v2, v1;
	v2 =	vmul.f32 v3, v17;
	v3 =	vmul.f32 v4, v62  }
0x148: {  	v40 =	vor.u32 $0x16, v34;
	v8 =	vld.idx.msk [tilespmem:v63+s14+$0x0], $0xffff  }
0x149: {  	v41 =	vld.idx.msk [tilespmem:v36+s13+$0x0], $0xffff;
	v1 =	vadd.f32 v2, v1;
	v2 =	vmul.f32 v3, v18;
	v3 =	vmul.f32 v6, v35  }
0x14a: {  	v42 =	vor.u32 $0x17, v34;
	v9 =	vld.idx.msk [tilespmem:v36+s14+$0x0], $0xffff  }
0x14b: {  	v43 =	vld.idx.msk [tilespmem:v38+s13+$0x0], $0xffff;
	v1 =	vadd.f32 v2, v1;
	v2 =	vmul.f32 v3, v19;
	v3 =	vmul.f32 v7, v37  }
0x14c: {  	v44 =	vor.u32 $0x18, v34;
	v5 =	vld.idx.msk [tilespmem:v38+s14+$0x0], $0xffff  }
0x14d: {  	v45 =	vld.idx.msk [tilespmem:v40+s13+$0x0], $0xffff;
	v1 =	vadd.f32 v2, v1;
	v2 =	vmul.f32 v3, v20;
	v3 =	vmul.f32 v8, v39  }
0x14e: {  	v46 =	vor.u32 $0x19, v34;
	v4 =	vld.idx.msk [tilespmem:v40+s14+$0x0], $0xffff  }
0x14f: {  	v47 =	vld.idx.msk [tilespmem:v42+s13+$0x0], $0xffff;
	v1 =	vadd.f32 v2, v1;
	v2 =	vmul.f32 v3, v21;
	v3 =	vmul.f32 v9, v41  }
0x150: {  	v48 =	vor.u32 $0x1A, v34;
	v6 =	vld.idx.msk [tilespmem:v42+s14+$0x0], $0xffff  }
0x151: {  	v49 =	vld.idx.msk [tilespmem:v44+s13+$0x0], $0xffff;
	v1 =	vadd.f32 v2, v1;
	v2 =	vmul.f32 v3, v22;
	v3 =	vmul.f32 v5, v43  }
0x152: {  	v50 =	vor.u32 $0x1B, v34;
	v7 =	vld.idx.msk [tilespmem:v44+s14+$0x0], $0xffff  }
0x153: {  	v51 =	vld.idx.msk [tilespmem:v46+s13+$0x0], $0xffff;
	v1 =	vadd.f32 v2, v1;
	v2 =	vmul.f32 v3, v23;
	v3 =	vmul.f32 v4, v45  }
0x154: {  	v52 =	vor.u32 $0x1C, v34;
	v8 =	vld.idx.msk [tilespmem:v46+s14+$0x0], $0xffff  }
0x155: {  	v53 =	vld.idx.msk [tilespmem:v48+s13+$0x0], $0xffff;
	v1 =	vadd.f32 v2, v1;
	v2 =	vmul.f32 v3, v24;
	v3 =	vmul.f32 v6, v47  }
0x156: {  	v54 =	vor.u32 $0x1D, v34;
	v9 =	vld.idx.msk [tilespmem:v48+s14+$0x0], $0xffff  }
0x157: {  	v55 =	vld.idx.msk [tilespmem:v50+s13+$0x0], $0xffff;
	v1 =	vadd.f32 v2, v1;
	v2 =	vmul.f32 v3, v25;
	v3 =	vmul.f32 v7, v49  }
0x158: {  	v56 =	vor.u32 $0x1E, v34;
	v5 =	vld.idx.msk [tilespmem:v50+s14+$0x0], $0xffff  }
0x159: {  	v57 =	vld.idx.msk [tilespmem:v52+s13+$0x0], $0xffff;
	v1 =	vadd.f32 v2, v1;
	v2 =	vmul.f32 v3, v26;
	v3 =	vmul.f32 v8, v51  }
0x15a: {  	v58 =	vor.u32 $0x1F, v34;
	v4 =	vld.idx.msk [tilespmem:v52+s14+$0x0], $0xffff  }
0x15b: {  	v59 =	vld.idx.msk [tilespmem:v54+s13+$0x0], $0xffff;
	v1 =	vadd.f32 v2, v1;
	v2 =	vmul.f32 v3, v27;
	v3 =	vmul.f32 v9, v53  }
0x15c: {  	v6 =	vld.idx.msk [tilespmem:v54+s14+$0x0], $0xffff  }
0x15d: {  	v60 =	vld.idx.msk [tilespmem:v56+s13+$0x0], $0xffff;
	v1 =	vadd.f32 v2, v1;
	v2 =	vmul.f32 v3, v28;
	v3 =	vmul.f32 v5, v55  }
0x15e: {  	v61 =	vld.idx.msk [tilespmem:v56+s14+$0x0], $0xffff  }
0x15f: {  	v62 =	vld.idx.msk [tilespmem:v58+s13+$0x0], $0xffff;
	v1 =	vadd.f32 v2, v1;
	v2 =	vmul.f32 v3, v29;
	v3 =	vmul.f32 v4, v57  }
0x160: {  	v63 =	vld.idx.msk [tilespmem:v58+s14+$0x0], $0xffff  }
0x161: {  	v1 =	vadd.f32 v2, v1;
	v2 =	vmul.f32 v3, v30;
	v3 =	vmul.f32 v6, v59;
	_ =	sdelay $0x1  }
0x162: {  	v1 =	vadd.f32 v2, v1;
	v2 =	vmul.f32 v3, v31;
	v3 =	vmul.f32 v61, v60;
	_ =	sdelay $0x1  }
0x163: {  	v1 =	vadd.f32 v2, v1;
	v2 =	vmul.f32 v3, v32;
	v3 =	vmul.f32 v63, v62;
	_ =	sdelay $0x1  }
0x164: {  	v1 =	vadd.f32 v2, v1;
	v2 =	vmul.f32 v3, v33;
	_ =	sdelay $0x1  }
0x165: {  	v1 =	vadd.f32 v2, v1;
	_ =	sdelay $0x1  }
0x166: {  	v1 =	vsub.f32 $0.0e+00, v1;
	_ =	sdelay $0x1  }
0x167: {  	v1 =	vmul.f32 $1.442695020e+00, v1;
	_ =	sdelay $0x1  }
0x168: {  	(erf) = vpow2.f32 v1;
	_ =	sdelay $0x8  }
0x169: {  	v1 =	vpop (erf)  }
0x16a: {  	v1 =	vadd.f32 $1.000000000e+00, v1;
	_ =	sdelay $0x1  }
0x16b: {  	(erf) = vrcp.f32 v1;
	_ =	sdelay $0x7  }
0x16c: {  	s18 =	sadd.s32 $0x1, s18  }
0x16d: {  	p0 =	sne.s32 s18, s9;
	s19 =	sadd.s32 $0x10, s19;
	v1 =	vpop (erf)  }
.Ltmp1:
0x16e: {  	[tilespmem:s19+$0x0] =	vst v1;
	(pc) =	sbr.rel @p0 .LBB2_1-.Ltmp1, $4  }
0x16f: {  	[hbm4b:s8+s2] =	stream.linear.scatter [tilespmem:s17], [sflag:$0x3], $0x200, $0x38;
	[tilespmem:$0x8628] =	vst v63  }
0x170: {  	_ =	swait.ge [sflag:s11], $0x200  }
0x171: {  	[sflag:s11] =	ssyncset.done $0x0  }
0x172: {  	[sflag:s11] =	ssyncadd.s32 $0xFFFFFE00  }
0x173: {  	_ =	sfence.sel $0x180000  }
0x174: {  	[bflag:$0x0] =	sbarrier.arrive $0xFFFF  }
0x175: {  	p0 =	sne.s32 s1, $0x0;
	_ =	strace $0x90000047  }
0x176: {  	s0 =	sadd.s32 @!p0 $0x100000, s0;
	[bflag:$0x2] =	sbarrier.arrive $0xFFFF  }
0x177: {  	[sflag:s0] =	ssyncadd.tile.s32 @!p0 $0x1;
	_ =	shalt  }
.Lfunc_end2:
_tile_overlayer_lowered:
.L_overlay_start_2:
0x178: {  	(tag) =	ssettag $0x2  }
0x179: {  	s0 =	rddreg [dreg:$0x0];
	s2 =	stileid.u32  }
0x17a: {  	s1 =	rddreg [dreg:$0x1];
	p0 =	sne.s32 s2, $0x0  }
0x17b: {  	s3 =	rddreg [dreg:$0x2];
	[bflag:$0x3] =	sbarrier.arrive $0xFFFF;
	s2 =	simm.s32 @!p0 $0x1C03  }
0x17c: {  	[timem:s3], [sflag:s2] =	dma.local @!p0 [hbm:s0], s1  }
0x17d: {  	s0 =	simm.s32 @!p0 $0x3  }
0x17e: {  	_ =	swait.ge @!p0 [sflag:s0], s1  }
0x17f: {  	s1 =	ssub.s32 @!p0 $0x0, s1;
	[sflag:s0] =	ssyncset.done @!p0 $0x0  }
0x180: {  	[sflag:s0] =	ssyncadd.s32 @!p0 s1  }
0x181: {  	[bflag:$0x3] =	sbarrier.arrive $0xFFFF  }
0x182: {  	_ =	shalt  }

</sc_bundles>
